<compile_context>
chip_gen: v7x
topology: tpu7x:2x2x1
jax: 0.10.2.dev20260603
libtpu: 0.0.44.dev20260713+nightly
codegen_flags: <defaults>
</compile_context>

<pallas_src>
import functools

import jax
import jax.numpy as jnp
from jax import lax
from jax.experimental import pallas as pl
from jax.experimental.pallas import tpu as pltpu
from jax.experimental.pallas import tpu_sc as plsc

_B, _H, _W, _D = 8, 32, 32, 32
_K = 8192
_M = _B * _H * _W
_MB = 1024
_G = _M // _MB
_KCH = 2048

_SC_INFO = plsc.get_sparse_core_info()
_NC, _NS = _SC_INFO.num_cores, _SC_INFO.num_subcores
_NW = _NC * _NS
_BPW = _M // _NW
_CH = 128
_NCH = _BPW // _CH
_WPG = _NW // _G


def _dist_argmin_body(x_ref, e_ref, idx_ref, et_ref):
    i = pl.program_id(0)
    f = x_ref[...].reshape(_MB, _D)
    e = e_ref[...]
    fsq = jnp.sum(f * f, axis=1, keepdims=True)
    mm = jnp.dot(
        (2.0 * f).astype(jnp.bfloat16),
        e.astype(jnp.bfloat16),
        preferred_element_type=jnp.float32,
    )
    esq = jnp.sum(e * e, axis=0, keepdims=True)
    lane = lax.broadcasted_iota(jnp.int32, (_MB, 128), 1).astype(jnp.float32)
    acc_v = jnp.full((_MB,), jnp.inf, dtype=jnp.float32)
    acc_i = jnp.zeros((_MB,), dtype=jnp.float32)
    for c in range(_K // _KCH):
        val = jnp.full((_MB, 128), jnp.inf, dtype=jnp.float32)
        tdx = jnp.zeros((_MB, 128), dtype=jnp.float32)
        for t in range(_KCH // 128):
            s = c * _KCH + t * 128
            d_t = (fsq - mm[:, s:s + 128]) + esq[:, s:s + 128]
            lt = d_t < val
            val = jnp.where(lt, d_t, val)
            tdx = jnp.where(lt, jnp.float32(t), tdx)
        mv = jnp.min(val, axis=1)
        key = tdx * 128.0 + lane
        ai = jnp.min(jnp.where(val == mv[:, None], key, jnp.float32(_K)), axis=1)
        take = mv < acc_v
        acc_i = jnp.where(take, ai + c * _KCH, acc_i)
        acc_v = jnp.where(take, mv.astype(jnp.bfloat16).astype(jnp.float32), acc_v)
    idx_ref[...] = acc_i.astype(jnp.int32).reshape(_WPG, _NCH, _CH)
    et_ref[...] = e_ref[:, pl.ds(i * _MB, _MB)].T


_dist_argmin = pl.pallas_call(
    _dist_argmin_body,
    grid=(_G,),
    in_specs=[
        pl.BlockSpec((1, _H, _W, _D), lambda i: (i, 0, 0, 0)),
        pl.BlockSpec((_D, _K), lambda i: (0, 0)),
    ],
    out_specs=[
        pl.BlockSpec((_WPG, _NCH, _CH), lambda i: (i, 0, 0)),
        pl.BlockSpec((_MB, _D), lambda i: (i, 0)),
    ],
    out_shape=[
        jax.ShapeDtypeStruct((_NW, _NCH, _CH), jnp.int32),
        jax.ShapeDtypeStruct((_K, _D), jnp.float32),
    ],
    compiler_params=pltpu.CompilerParams(dimension_semantics=("parallel",)),
)


@functools.partial(
    pl.kernel,
    mesh=plsc.VectorSubcoreMesh(core_axis_name="c", subcore_axis_name="s"),
    out_type=jax.ShapeDtypeStruct((_B, _H, _W, _D), jnp.float32),
    scratch_types=[
        pltpu.VMEM((_NCH, _CH), jnp.int32),
        pltpu.VMEM((_BPW, _D), jnp.float32),
        pltpu.SemaphoreType.DMA,
    ],
    compiler_params=pltpu.CompilerParams(use_tc_tiling_on_sc=False),
)
def _sc_gather(table_hbm, idx_hbm, out_hbm, idx_v, rows_v, sem):
    wid = lax.axis_index("s") * _NC + lax.axis_index("c")
    pltpu.sync_copy(idx_hbm.at[wid], idx_v)
    for c in range(_NCH):
        pltpu.async_copy(
            table_hbm.at[idx_v.at[c]], rows_v.at[pl.ds(c * _CH, _CH)], sem
        ).wait()
    b = wid // (_NW // _B)
    h0 = (wid % (_NW // _B)) * (_BPW // _W)
    for j in range(_BPW // _W):
        pltpu.sync_copy(
            rows_v.at[pl.ds(j * _W, _W)], out_hbm.at[b, h0 + j]
        )


def kernel(x, embed):
    idx, table = _dist_argmin(x, embed)
    return _sc_gather(table, idx)

# --- scband reference (transcript-rebuilt; emitter-appended) ---
"""Pipeline reference for scband-qlayer-15788299780327 (READ-ONLY COPY).

The authoritative reference and input builder live on the scoring server;
editing this copy changes nothing except your own understanding.
"""

import jax, jax.numpy as jnp
import numpy as np

B, H, W, D = 8, 32, 32, 32
K = 8192  # num_embeddings
# num_codebooks N = 1, so code_dim = D // N = 32


def setup_inputs(seed: int = 0) -> dict:
    key = jax.random.key(seed)
    k1, k2 = jax.random.split(key)
    x = jax.random.normal(k1, (B, H, W, D), dtype=jnp.float32)
    # learned codebook (rosinality-style Quantize: embed has shape [dim, n_embed])
    embed = jax.random.normal(k2, (D, K), dtype=jnp.float32)
    return {"x": x, "embed": embed}


def reference(x, embed):
    # QLayer.up with args.downsample == 1: encoder is identity, so z_e = x.
    # Quantize (VQ-VAE with EMA codebook, rosinality style), single codebook.
    dim = embed.shape[0]
    flatten = x.reshape(-1, dim)  # [B*H*W, code_dim]
    # squared L2 distance to every codebook entry
    dist = (
        jnp.sum(flatten ** 2, axis=1, keepdims=True)
        - 2.0 * flatten @ embed
        + jnp.sum(embed ** 2, axis=0, keepdims=True)
    )  # [B*H*W, K]
    embed_ind = jnp.argmin(dist, axis=1)  # [B*H*W]
    # codebook gather
    quantize = jnp.take(embed.T, embed_ind, axis=0).reshape(x.shape)
    # commitment / codebook diff (stored as self.diffs in QLayer.up)
    diff = jnp.mean((jax.lax.stop_gradient(quantize) - x) ** 2)
    # perplexity (stored as self.ppls)
    onehot = jax.nn.one_hot(embed_ind, embed.shape[1], dtype=jnp.float32)
    avg_probs = jnp.mean(onehot, axis=0)
    ppl = jnp.exp(-jnp.sum(avg_probs * jnp.log(avg_probs + 1e-10)))
    # straight-through estimator; QLayer.up returns z_q
    z_q = x + jax.lax.stop_gradient(quantize - x)
    del diff, ppl  # logged internally, not returned by up()
    return z_q

if __name__ == "__main__":
    import jax
    _d = setup_inputs()
    print(jax.jit(kernel)(*tuple(_d.values())))

</pallas_src>

<mosaic_0001>
#map = affine_map<(d0, d1) -> (0, 0)>
#map1 = affine_map<(d0, d1) -> (0, 0, 0)>
#map2 = affine_map<(d0, d1) -> (0, 0, 0, 0)>
module attributes {stable_mosaic.version = 14 : i64} {
  func.func @_sc_gather(%arg0: i32, %arg1: i32, %arg2: memref<8192x32xf32, #tpu.memory_space<hbm>>, %arg3: memref<32x2x128xi32, #tpu.memory_space<hbm>>, %arg4: memref<8x32x32x32xf32, #tpu.memory_space<hbm>>, %arg5: memref<2x128xi32, #tpu.memory_space<vmem>>, %arg6: memref<256x32xf32, #tpu.memory_space<vmem>>, %arg7: memref<!tpu.dma_semaphore, #tpu.memory_space<semaphore_mem>>) attributes {dimension_semantics = [#tpu.dimension_semantics<core_parallel>, #tpu.dimension_semantics<subcore_parallel>], iteration_bounds = array<i64: 2, 16>, scalar_prefetch = 0 : i64, scratch_operands = 3 : i64, tpu.core_type = #tpu.core_type<sc_vector_subcore>, window_params = [{transform_indices = #map}, {transform_indices = #map1}, {transform_indices = #map2}]} {
    %mul3A = arith.constant 2 : i32
    %mul3A_0 = arith.muli %arg1, %mul3A : i32
    %add3A = arith.addi %mul3A_0, %arg0 : i32
    "tpu.region"() ({
      %run_scoped3A = tpu.sem_alloc : memref<!tpu.dma_semaphore, #tpu.memory_space<semaphore_mem>>
      %dma_start3A_87 = arith.constant 0 : i32
      %dma_start3A_88 = arith.constant 0 : i32
      %dma_start3A_89 = tpu.memref_slice %arg3[%add3A, %dma_start3A_87, %dma_start3A_88] : memref<32x2x128xi32, #tpu.memory_space<hbm>> -> memref<1x2x128xi32, #tpu.memory_space<hbm>>
      %dma_start3A_90 = tpu.memref_squeeze %dma_start3A_89 : memref<1x2x128xi32, #tpu.memory_space<hbm>> -> memref<2x128xi32, #tpu.memory_space<hbm>>
      %dma_start3A_91 = arith.constant 0 : i32
      %dma_start3A_92 = arith.constant 0 : i32
      %dma_start3A_93 = tpu.memref_slice %arg3[%add3A, %dma_start3A_91, %dma_start3A_92] : memref<32x2x128xi32, #tpu.memory_space<hbm>> -> memref<1x2x128xi32, #tpu.memory_space<hbm>>
      %dma_start3A_94 = tpu.memref_squeeze %dma_start3A_93 : memref<1x2x128xi32, #tpu.memory_space<hbm>> -> memref<2x128xi32, #tpu.memory_space<hbm>>
      tpu.enqueue_dma source(%dma_start3A_94 : memref<2x128xi32, #tpu.memory_space<hbm>>) target(%arg5 : memref<2x128xi32, #tpu.memory_space<vmem>>) target_semaphore(%run_scoped3A : memref<!tpu.dma_semaphore, #tpu.memory_space<semaphore_mem>>)
      %dma_wait3A_95 = arith.constant 0 : i32
      %dma_wait3A_96 = arith.constant 0 : i32
      %dma_wait3A_97 = tpu.memref_slice %arg3[%add3A, %dma_wait3A_95, %dma_wait3A_96] : memref<32x2x128xi32, #tpu.memory_space<hbm>> -> memref<1x2x128xi32, #tpu.memory_space<hbm>>
      %dma_wait3A_98 = tpu.memref_squeeze %dma_wait3A_97 : memref<1x2x128xi32, #tpu.memory_space<hbm>> -> memref<2x128xi32, #tpu.memory_space<hbm>>
      %dma_wait3A_99 = arith.constant 0 : i32
      %dma_wait3A_100 = arith.constant 0 : i32
      %dma_wait3A_101 = tpu.memref_slice %arg3[%add3A, %dma_wait3A_99, %dma_wait3A_100] : memref<32x2x128xi32, #tpu.memory_space<hbm>> -> memref<1x2x128xi32, #tpu.memory_space<hbm>>
      %dma_wait3A_102 = tpu.memref_squeeze %dma_wait3A_101 : memref<1x2x128xi32, #tpu.memory_space<hbm>> -> memref<2x128xi32, #tpu.memory_space<hbm>>
      tpu.wait_dma2 semaphore(%run_scoped3A : memref<!tpu.dma_semaphore, #tpu.memory_space<semaphore_mem>>) src(%dma_wait3A_102 : memref<2x128xi32, #tpu.memory_space<hbm>>) dst(%arg5 : memref<2x128xi32, #tpu.memory_space<vmem>>)
      tpu.yield
    }) : () -> ()
    %dma_start3A = arith.constant 0 : i32
    %dma_start3A_1 = arith.constant 0 : i32
    %dma_start3A_2 = arith.constant 0 : i32
    %dma_start3A_3 = tpu.memref_slice %arg6[%dma_start3A_1, %dma_start3A_2] : memref<256x32xf32, #tpu.memory_space<vmem>> -> memref<128x32xf32, #tpu.memory_space<vmem>>
    %dma_start3A_4 = arith.constant 0 : i32
    %dma_start3A_5 = tpu.memref_slice %arg5[%dma_start3A, %dma_start3A_4] : memref<2x128xi32, #tpu.memory_space<vmem>> -> memref<1x128xi32, #tpu.memory_space<vmem>>
    %dma_start3A_6 = tpu.memref_squeeze %dma_start3A_5 : memref<1x128xi32, #tpu.memory_space<vmem>> -> memref<128xi32, #tpu.memory_space<vmem>>
    %dma_start3A_7 = arith.constant 0 : i32
    %dma_start3A_8 = arith.constant 0 : i32
    %dma_start3A_9 = tpu.memref_slice %arg2[%dma_start3A_7, %dma_start3A_8] : memref<8192x32xf32, #tpu.memory_space<hbm>> -> memref<8192x32xf32, #tpu.memory_space<hbm>>
    tpu.enqueue_indirect_dma source(%dma_start3A_9 : memref<8192x32xf32, #tpu.memory_space<hbm>>) target(%dma_start3A_3 : memref<128x32xf32, #tpu.memory_space<vmem>>) offsets(%dma_start3A_6 : memref<128xi32, #tpu.memory_space<vmem>>) semaphore(%arg7 : memref<!tpu.dma_semaphore, #tpu.memory_space<semaphore_mem>>)
    %dma_wait3A = arith.constant 0 : i32
    %dma_wait3A_10 = arith.constant 0 : i32
    %dma_wait3A_11 = arith.constant 0 : i32
    %dma_wait3A_12 = tpu.memref_slice %arg6[%dma_wait3A_10, %dma_wait3A_11] : memref<256x32xf32, #tpu.memory_space<vmem>> -> memref<128x32xf32, #tpu.memory_space<vmem>>
    %dma_wait3A_13 = arith.constant 0 : i32
    %dma_wait3A_14 = tpu.memref_slice %arg5[%dma_wait3A, %dma_wait3A_13] : memref<2x128xi32, #tpu.memory_space<vmem>> -> memref<1x128xi32, #tpu.memory_space<vmem>>
    %dma_wait3A_15 = tpu.memref_squeeze %dma_wait3A_14 : memref<1x128xi32, #tpu.memory_space<vmem>> -> memref<128xi32, #tpu.memory_space<vmem>>
    %dma_wait3A_16 = arith.constant 0 : i32
    %dma_wait3A_17 = arith.constant 0 : i32
    %dma_wait3A_18 = tpu.memref_slice %arg2[%dma_wait3A_16, %dma_wait3A_17] : memref<8192x32xf32, #tpu.memory_space<hbm>> -> memref<8192x32xf32, #tpu.memory_space<hbm>>
    tpu.wait_indirect_dma semaphore(%arg7 : memref<!tpu.dma_semaphore, #tpu.memory_space<semaphore_mem>>) src(%dma_wait3A_18 : memref<8192x32xf32, #tpu.memory_space<hbm>>) dst(%dma_wait3A_12 : memref<128x32xf32, #tpu.memory_space<vmem>>)
    %dma_start3A_19 = arith.constant 1 : i32
    %dma_start3A_20 = arith.constant 128 : i32
    %dma_start3A_21 = arith.constant 0 : i32
    %dma_start3A_22 = tpu.memref_slice %arg6[%dma_start3A_20, %dma_start3A_21] : memref<256x32xf32, #tpu.memory_space<vmem>> -> memref<128x32xf32, #tpu.memory_space<vmem>>
    %dma_start3A_23 = arith.constant 0 : i32
    %dma_start3A_24 = tpu.memref_slice %arg5[%dma_start3A_19, %dma_start3A_23] : memref<2x128xi32, #tpu.memory_space<vmem>> -> memref<1x128xi32, #tpu.memory_space<vmem>>
    %dma_start3A_25 = tpu.memref_squeeze %dma_start3A_24 : memref<1x128xi32, #tpu.memory_space<vmem>> -> memref<128xi32, #tpu.memory_space<vmem>>
    %dma_start3A_26 = arith.constant 0 : i32
    %dma_start3A_27 = arith.constant 0 : i32
    %dma_start3A_28 = tpu.memref_slice %arg2[%dma_start3A_26, %dma_start3A_27] : memref<8192x32xf32, #tpu.memory_space<hbm>> -> memref<8192x32xf32, #tpu.memory_space<hbm>>
    tpu.enqueue_indirect_dma source(%dma_start3A_28 : memref<8192x32xf32, #tpu.memory_space<hbm>>) target(%dma_start3A_22 : memref<128x32xf32, #tpu.memory_space<vmem>>) offsets(%dma_start3A_25 : memref<128xi32, #tpu.memory_space<vmem>>) semaphore(%arg7 : memref<!tpu.dma_semaphore, #tpu.memory_space<semaphore_mem>>)
    %dma_wait3A_29 = arith.constant 1 : i32
    %dma_wait3A_30 = arith.constant 128 : i32
    %dma_wait3A_31 = arith.constant 0 : i32
    %dma_wait3A_32 = tpu.memref_slice %arg6[%dma_wait3A_30, %dma_wait3A_31] : memref<256x32xf32, #tpu.memory_space<vmem>> -> memref<128x32xf32, #tpu.memory_space<vmem>>
    %dma_wait3A_33 = arith.constant 0 : i32
    %dma_wait3A_34 = tpu.memref_slice %arg5[%dma_wait3A_29, %dma_wait3A_33] : memref<2x128xi32, #tpu.memory_space<vmem>> -> memref<1x128xi32, #tpu.memory_space<vmem>>
    %dma_wait3A_35 = tpu.memref_squeeze %dma_wait3A_34 : memref<1x128xi32, #tpu.memory_space<vmem>> -> memref<128xi32, #tpu.memory_space<vmem>>
    %dma_wait3A_36 = arith.constant 0 : i32
    %dma_wait3A_37 = arith.constant 0 : i32
    %dma_wait3A_38 = tpu.memref_slice %arg2[%dma_wait3A_36, %dma_wait3A_37] : memref<8192x32xf32, #tpu.memory_space<hbm>> -> memref<8192x32xf32, #tpu.memory_space<hbm>>
    tpu.wait_indirect_dma semaphore(%arg7 : memref<!tpu.dma_semaphore, #tpu.memory_space<semaphore_mem>>) src(%dma_wait3A_38 : memref<8192x32xf32, #tpu.memory_space<hbm>>) dst(%dma_wait3A_32 : memref<128x32xf32, #tpu.memory_space<vmem>>)
    %jit3A = arith.constant 4 : i32
    %div3A = arith.divsi %add3A, %jit3A : i32
    %sign3A = arith.constant 0 : i32
    %sign3A_39 = arith.cmpi sgt, %add3A, %sign3A : i32
    %sign3A_40 = arith.extui %sign3A_39 : i1 to i32
    %sign3A_41 = arith.constant 0 : i32
    %sign3A_42 = arith.cmpi slt, %add3A, %sign3A_41 : i32
    %sign3A_43 = arith.extui %sign3A_42 : i1 to i32
    %sign3A_44 = arith.subi %sign3A_40, %sign3A_43 : i32
    %sign3A_45 = arith.constant 0 : i32
    %sign3A_46 = arith.cmpi sgt, %jit3A, %sign3A_45 : i32
    %sign3A_47 = arith.extui %sign3A_46 : i1 to i32
    %sign3A_48 = arith.constant 0 : i32
    %sign3A_49 = arith.cmpi slt, %jit3A, %sign3A_48 : i32
    %sign3A_50 = arith.extui %sign3A_49 : i1 to i32
    %sign3A_51 = arith.subi %sign3A_47, %sign3A_50 : i32
    %ne3A = arith.cmpi ne, %sign3A_44, %sign3A_51 : i32
    %rem3A = arith.remsi %add3A, %jit3A : i32
    %ne3A_52 = arith.constant 0 : i32
    %ne3A_53 = arith.cmpi ne, %rem3A, %ne3A_52 : i32
    %and3A = arith.andi %ne3A, %ne3A_53 : i1
    %sub3A = arith.constant 1 : i32
    %sub3A_54 = arith.subi %div3A, %sub3A : i32
    %select_n3A = arith.select %and3A, %sub3A_54, %div3A : i32
    %jit3A_55 = arith.constant 4 : i32
    %eq3A = arith.constant 0 : i32
    %eq3A_56 = arith.cmpi eq, %jit3A_55, %eq3A : i32
    %jit3A_57 = arith.constant 1 : i32
    %select_n3A_58 = arith.select %eq3A_56, %jit3A_57, %jit3A_55 : i32
    %rem3A_59 = arith.remsi %add3A, %select_n3A_58 : i32
    %ne3A_60 = arith.constant 0 : i32
    %ne3A_61 = arith.cmpi ne, %rem3A_59, %ne3A_60 : i32
    %lt3A = arith.constant 0 : i32
    %lt3A_62 = arith.cmpi slt, %rem3A_59, %lt3A : i32
    %lt3A_63 = arith.constant 0 : i32
    %lt3A_64 = arith.cmpi slt, %select_n3A_58, %lt3A_63 : i32
    %ne3A_65 = arith.xori %lt3A_62, %lt3A_64 : i1
    %and3A_66 = arith.andi %ne3A_65, %ne3A_61 : i1
    %add3A_67 = arith.addi %rem3A_59, %select_n3A_58 : i32
    %select_n3A_68 = arith.select %and3A_66, %add3A_67, %rem3A_59 : i32
    %mul3A_69 = arith.constant 8 : i32
    %mul3A_70 = arith.muli %select_n3A_68, %mul3A_69 : i32
    %add3A_71 = arith.constant 0 : i32
    %add3A_72 = arith.addi %mul3A_70, %add3A_71 : i32
    "tpu.region"() ({
      %run_scoped3A = tpu.sem_alloc : memref<!tpu.dma_semaphore, #tpu.memory_space<semaphore_mem>>
      %dma_start3A_87 = arith.constant 0 : i32
      %dma_start3A_88 = arith.constant 0 : i32
      %dma_start3A_89 = tpu.memref_slice %arg6[%dma_start3A_87, %dma_start3A_88] : memref<256x32xf32, #tpu.memory_space<vmem>> -> memref<32x32xf32, #tpu.memory_space<vmem>>
      %dma_start3A_90 = arith.constant 0 : i32
      %dma_start3A_91 = arith.constant 0 : i32
      %dma_start3A_92 = tpu.memref_slice %arg4[%select_n3A, %add3A_72, %dma_start3A_90, %dma_start3A_91] : memref<8x32x32x32xf32, #tpu.memory_space<hbm>> -> memref<1x1x32x32xf32, #tpu.memory_space<hbm>>
      %dma_start3A_93 = tpu.memref_squeeze %dma_start3A_92 : memref<1x1x32x32xf32, #tpu.memory_space<hbm>> -> memref<32x32xf32, #tpu.memory_space<hbm>>
      %dma_start3A_94 = arith.constant 0 : i32
      %dma_start3A_95 = arith.constant 0 : i32
      %dma_start3A_96 = tpu.memref_slice %arg4[%select_n3A, %add3A_72, %dma_start3A_94, %dma_start3A_95] : memref<8x32x32x32xf32, #tpu.memory_space<hbm>> -> memref<1x1x32x32xf32, #tpu.memory_space<hbm>>
      %dma_start3A_97 = tpu.memref_squeeze %dma_start3A_96 : memref<1x1x32x32xf32, #tpu.memory_space<hbm>> -> memref<32x32xf32, #tpu.memory_space<hbm>>
      %dma_start3A_98 = arith.constant 0 : i32
      %dma_start3A_99 = arith.constant 0 : i32
      %dma_start3A_100 = tpu.memref_slice %arg6[%dma_start3A_98, %dma_start3A_99] : memref<256x32xf32, #tpu.memory_space<vmem>> -> memref<32x32xf32, #tpu.memory_space<vmem>>
      tpu.enqueue_dma source(%dma_start3A_100 : memref<32x32xf32, #tpu.memory_space<vmem>>) target(%dma_start3A_97 : memref<32x32xf32, #tpu.memory_space<hbm>>) target_semaphore(%run_scoped3A : memref<!tpu.dma_semaphore, #tpu.memory_space<semaphore_mem>>)
      %dma_wait3A_101 = arith.constant 0 : i32
      %dma_wait3A_102 = arith.constant 0 : i32
      %dma_wait3A_103 = tpu.memref_slice %arg6[%dma_wait3A_101, %dma_wait3A_102] : memref<256x32xf32, #tpu.memory_space<vmem>> -> memref<32x32xf32, #tpu.memory_space<vmem>>
      %dma_wait3A_104 = arith.constant 0 : i32
      %dma_wait3A_105 = arith.constant 0 : i32
      %dma_wait3A_106 = tpu.memref_slice %arg4[%select_n3A, %add3A_72, %dma_wait3A_104, %dma_wait3A_105] : memref<8x32x32x32xf32, #tpu.memory_space<hbm>> -> memref<1x1x32x32xf32, #tpu.memory_space<hbm>>
      %dma_wait3A_107 = tpu.memref_squeeze %dma_wait3A_106 : memref<1x1x32x32xf32, #tpu.memory_space<hbm>> -> memref<32x32xf32, #tpu.memory_space<hbm>>
      %dma_wait3A_108 = arith.constant 0 : i32
      %dma_wait3A_109 = arith.constant 0 : i32
      %dma_wait3A_110 = tpu.memref_slice %arg4[%select_n3A, %add3A_72, %dma_wait3A_108, %dma_wait3A_109] : memref<8x32x32x32xf32, #tpu.memory_space<hbm>> -> memref<1x1x32x32xf32, #tpu.memory_space<hbm>>
      %dma_wait3A_111 = tpu.memref_squeeze %dma_wait3A_110 : memref<1x1x32x32xf32, #tpu.memory_space<hbm>> -> memref<32x32xf32, #tpu.memory_space<hbm>>
      %dma_wait3A_112 = arith.constant 0 : i32
      %dma_wait3A_113 = arith.constant 0 : i32
      %dma_wait3A_114 = tpu.memref_slice %arg6[%dma_wait3A_112, %dma_wait3A_113] : memref<256x32xf32, #tpu.memory_space<vmem>> -> memref<32x32xf32, #tpu.memory_space<vmem>>
      tpu.wait_dma2 semaphore(%run_scoped3A : memref<!tpu.dma_semaphore, #tpu.memory_space<semaphore_mem>>) src(%dma_wait3A_114 : memref<32x32xf32, #tpu.memory_space<vmem>>) dst(%dma_wait3A_111 : memref<32x32xf32, #tpu.memory_space<hbm>>)
      tpu.yield
    }) : () -> ()
    %add3A_73 = arith.constant 1 : i32
    %add3A_74 = arith.addi %mul3A_70, %add3A_73 : i32
    "tpu.region"() ({
      %run_scoped3A = tpu.sem_alloc : memref<!tpu.dma_semaphore, #tpu.memory_space<semaphore_mem>>
      %dma_start3A_87 = arith.constant 32 : i32
      %dma_start3A_88 = arith.constant 0 : i32
      %dma_start3A_89 = tpu.memref_slice %arg6[%dma_start3A_87, %dma_start3A_88] : memref<256x32xf32, #tpu.memory_space<vmem>> -> memref<32x32xf32, #tpu.memory_space<vmem>>
      %dma_start3A_90 = arith.constant 0 : i32
      %dma_start3A_91 = arith.constant 0 : i32
      %dma_start3A_92 = tpu.memref_slice %arg4[%select_n3A, %add3A_74, %dma_start3A_90, %dma_start3A_91] : memref<8x32x32x32xf32, #tpu.memory_space<hbm>> -> memref<1x1x32x32xf32, #tpu.memory_space<hbm>>
      %dma_start3A_93 = tpu.memref_squeeze %dma_start3A_92 : memref<1x1x32x32xf32, #tpu.memory_space<hbm>> -> memref<32x32xf32, #tpu.memory_space<hbm>>
      %dma_start3A_94 = arith.constant 0 : i32
      %dma_start3A_95 = arith.constant 0 : i32
      %dma_start3A_96 = tpu.memref_slice %arg4[%select_n3A, %add3A_74, %dma_start3A_94, %dma_start3A_95] : memref<8x32x32x32xf32, #tpu.memory_space<hbm>> -> memref<1x1x32x32xf32, #tpu.memory_space<hbm>>
      %dma_start3A_97 = tpu.memref_squeeze %dma_start3A_96 : memref<1x1x32x32xf32, #tpu.memory_space<hbm>> -> memref<32x32xf32, #tpu.memory_space<hbm>>
      %dma_start3A_98 = arith.constant 32 : i32
      %dma_start3A_99 = arith.constant 0 : i32
      %dma_start3A_100 = tpu.memref_slice %arg6[%dma_start3A_98, %dma_start3A_99] : memref<256x32xf32, #tpu.memory_space<vmem>> -> memref<32x32xf32, #tpu.memory_space<vmem>>
      tpu.enqueue_dma source(%dma_start3A_100 : memref<32x32xf32, #tpu.memory_space<vmem>>) target(%dma_start3A_97 : memref<32x32xf32, #tpu.memory_space<hbm>>) target_semaphore(%run_scoped3A : memref<!tpu.dma_semaphore, #tpu.memory_space<semaphore_mem>>)
      %dma_wait3A_101 = arith.constant 32 : i32
      %dma_wait3A_102 = arith.constant 0 : i32
      %dma_wait3A_103 = tpu.memref_slice %arg6[%dma_wait3A_101, %dma_wait3A_102] : memref<256x32xf32, #tpu.memory_space<vmem>> -> memref<32x32xf32, #tpu.memory_space<vmem>>
      %dma_wait3A_104 = arith.constant 0 : i32
      %dma_wait3A_105 = arith.constant 0 : i32
      %dma_wait3A_106 = tpu.memref_slice %arg4[%select_n3A, %add3A_74, %dma_wait3A_104, %dma_wait3A_105] : memref<8x32x32x32xf32, #tpu.memory_space<hbm>> -> memref<1x1x32x32xf32, #tpu.memory_space<hbm>>
      %dma_wait3A_107 = tpu.memref_squeeze %dma_wait3A_106 : memref<1x1x32x32xf32, #tpu.memory_space<hbm>> -> memref<32x32xf32, #tpu.memory_space<hbm>>
      %dma_wait3A_108 = arith.constant 0 : i32
      %dma_wait3A_109 = arith.constant 0 : i32
      %dma_wait3A_110 = tpu.memref_slice %arg4[%select_n3A, %add3A_74, %dma_wait3A_108, %dma_wait3A_109] : memref<8x32x32x32xf32, #tpu.memory_space<hbm>> -> memref<1x1x32x32xf32, #tpu.memory_space<hbm>>
      %dma_wait3A_111 = tpu.memref_squeeze %dma_wait3A_110 : memref<1x1x32x32xf32, #tpu.memory_space<hbm>> -> memref<32x32xf32, #tpu.memory_space<hbm>>
      %dma_wait3A_112 = arith.constant 32 : i32
      %dma_wait3A_113 = arith.constant 0 : i32
      %dma_wait3A_114 = tpu.memref_slice %arg6[%dma_wait3A_112, %dma_wait3A_113] : memref<256x32xf32, #tpu.memory_space<vmem>> -> memref<32x32xf32, #tpu.memory_space<vmem>>
      tpu.wait_dma2 semaphore(%run_scoped3A : memref<!tpu.dma_semaphore, #tpu.memory_space<semaphore_mem>>) src(%dma_wait3A_114 : memref<32x32xf32, #tpu.memory_space<vmem>>) dst(%dma_wait3A_111 : memref<32x32xf32, #tpu.memory_space<hbm>>)
      tpu.yield
    }) : () -> ()
    %add3A_75 = arith.constant 2 : i32
    %add3A_76 = arith.addi %mul3A_70, %add3A_75 : i32
    "tpu.region"() ({
      %run_scoped3A = tpu.sem_alloc : memref<!tpu.dma_semaphore, #tpu.memory_space<semaphore_mem>>
      %dma_start3A_87 = arith.constant 64 : i32
      %dma_start3A_88 = arith.constant 0 : i32
      %dma_start3A_89 = tpu.memref_slice %arg6[%dma_start3A_87, %dma_start3A_88] : memref<256x32xf32, #tpu.memory_space<vmem>> -> memref<32x32xf32, #tpu.memory_space<vmem>>
      %dma_start3A_90 = arith.constant 0 : i32
      %dma_start3A_91 = arith.constant 0 : i32
      %dma_start3A_92 = tpu.memref_slice %arg4[%select_n3A, %add3A_76, %dma_start3A_90, %dma_start3A_91] : memref<8x32x32x32xf32, #tpu.memory_space<hbm>> -> memref<1x1x32x32xf32, #tpu.memory_space<hbm>>
      %dma_start3A_93 = tpu.memref_squeeze %dma_start3A_92 : memref<1x1x32x32xf32, #tpu.memory_space<hbm>> -> memref<32x32xf32, #tpu.memory_space<hbm>>
      %dma_start3A_94 = arith.constant 0 : i32
      %dma_start3A_95 = arith.constant 0 : i32
      %dma_start3A_96 = tpu.memref_slice %arg4[%select_n3A, %add3A_76, %dma_start3A_94, %dma_start3A_95] : memref<8x32x32x32xf32, #tpu.memory_space<hbm>> -> memref<1x1x32x32xf32, #tpu.memory_space<hbm>>
      %dma_start3A_97 = tpu.memref_squeeze %dma_start3A_96 : memref<1x1x32x32xf32, #tpu.memory_space<hbm>> -> memref<32x32xf32, #tpu.memory_space<hbm>>
      %dma_start3A_98 = arith.constant 64 : i32
      %dma_start3A_99 = arith.constant 0 : i32
      %dma_start3A_100 = tpu.memref_slice %arg6[%dma_start3A_98, %dma_start3A_99] : memref<256x32xf32, #tpu.memory_space<vmem>> -> memref<32x32xf32, #tpu.memory_space<vmem>>
      tpu.enqueue_dma source(%dma_start3A_100 : memref<32x32xf32, #tpu.memory_space<vmem>>) target(%dma_start3A_97 : memref<32x32xf32, #tpu.memory_space<hbm>>) target_semaphore(%run_scoped3A : memref<!tpu.dma_semaphore, #tpu.memory_space<semaphore_mem>>)
      %dma_wait3A_101 = arith.constant 64 : i32
      %dma_wait3A_102 = arith.constant 0 : i32
      %dma_wait3A_103 = tpu.memref_slice %arg6[%dma_wait3A_101, %dma_wait3A_102] : memref<256x32xf32, #tpu.memory_space<vmem>> -> memref<32x32xf32, #tpu.memory_space<vmem>>
      %dma_wait3A_104 = arith.constant 0 : i32
      %dma_wait3A_105 = arith.constant 0 : i32
      %dma_wait3A_106 = tpu.memref_slice %arg4[%select_n3A, %add3A_76, %dma_wait3A_104, %dma_wait3A_105] : memref<8x32x32x32xf32, #tpu.memory_space<hbm>> -> memref<1x1x32x32xf32, #tpu.memory_space<hbm>>
      %dma_wait3A_107 = tpu.memref_squeeze %dma_wait3A_106 : memref<1x1x32x32xf32, #tpu.memory_space<hbm>> -> memref<32x32xf32, #tpu.memory_space<hbm>>
      %dma_wait3A_108 = arith.constant 0 : i32
      %dma_wait3A_109 = arith.constant 0 : i32
      %dma_wait3A_110 = tpu.memref_slice %arg4[%select_n3A, %add3A_76, %dma_wait3A_108, %dma_wait3A_109] : memref<8x32x32x32xf32, #tpu.memory_space<hbm>> -> memref<1x1x32x32xf32, #tpu.memory_space<hbm>>
      %dma_wait3A_111 = tpu.memref_squeeze %dma_wait3A_110 : memref<1x1x32x32xf32, #tpu.memory_space<hbm>> -> memref<32x32xf32, #tpu.memory_space<hbm>>
      %dma_wait3A_112 = arith.constant 64 : i32
      %dma_wait3A_113 = arith.constant 0 : i32
      %dma_wait3A_114 = tpu.memref_slice %arg6[%dma_wait3A_112, %dma_wait3A_113] : memref<256x32xf32, #tpu.memory_space<vmem>> -> memref<32x32xf32, #tpu.memory_space<vmem>>
      tpu.wait_dma2 semaphore(%run_scoped3A : memref<!tpu.dma_semaphore, #tpu.memory_space<semaphore_mem>>) src(%dma_wait3A_114 : memref<32x32xf32, #tpu.memory_space<vmem>>) dst(%dma_wait3A_111 : memref<32x32xf32, #tpu.memory_space<hbm>>)
      tpu.yield
    }) : () -> ()
    %add3A_77 = arith.constant 3 : i32
    %add3A_78 = arith.addi %mul3A_70, %add3A_77 : i32
    "tpu.region"() ({
      %run_scoped3A = tpu.sem_alloc : memref<!tpu.dma_semaphore, #tpu.memory_space<semaphore_mem>>
      %dma_start3A_87 = arith.constant 96 : i32
      %dma_start3A_88 = arith.constant 0 : i32
      %dma_start3A_89 = tpu.memref_slice %arg6[%dma_start3A_87, %dma_start3A_88] : memref<256x32xf32, #tpu.memory_space<vmem>> -> memref<32x32xf32, #tpu.memory_space<vmem>>
      %dma_start3A_90 = arith.constant 0 : i32
      %dma_start3A_91 = arith.constant 0 : i32
      %dma_start3A_92 = tpu.memref_slice %arg4[%select_n3A, %add3A_78, %dma_start3A_90, %dma_start3A_91] : memref<8x32x32x32xf32, #tpu.memory_space<hbm>> -> memref<1x1x32x32xf32, #tpu.memory_space<hbm>>
      %dma_start3A_93 = tpu.memref_squeeze %dma_start3A_92 : memref<1x1x32x32xf32, #tpu.memory_space<hbm>> -> memref<32x32xf32, #tpu.memory_space<hbm>>
      %dma_start3A_94 = arith.constant 0 : i32
      %dma_start3A_95 = arith.constant 0 : i32
      %dma_start3A_96 = tpu.memref_slice %arg4[%select_n3A, %add3A_78, %dma_start3A_94, %dma_start3A_95] : memref<8x32x32x32xf32, #tpu.memory_space<hbm>> -> memref<1x1x32x32xf32, #tpu.memory_space<hbm>>
      %dma_start3A_97 = tpu.memref_squeeze %dma_start3A_96 : memref<1x1x32x32xf32, #tpu.memory_space<hbm>> -> memref<32x32xf32, #tpu.memory_space<hbm>>
      %dma_start3A_98 = arith.constant 96 : i32
      %dma_start3A_99 = arith.constant 0 : i32
      %dma_start3A_100 = tpu.memref_slice %arg6[%dma_start3A_98, %dma_start3A_99] : memref<256x32xf32, #tpu.memory_space<vmem>> -> memref<32x32xf32, #tpu.memory_space<vmem>>
      tpu.enqueue_dma source(%dma_start3A_100 : memref<32x32xf32, #tpu.memory_space<vmem>>) target(%dma_start3A_97 : memref<32x32xf32, #tpu.memory_space<hbm>>) target_semaphore(%run_scoped3A : memref<!tpu.dma_semaphore, #tpu.memory_space<semaphore_mem>>)
      %dma_wait3A_101 = arith.constant 96 : i32
      %dma_wait3A_102 = arith.constant 0 : i32
      %dma_wait3A_103 = tpu.memref_slice %arg6[%dma_wait3A_101, %dma_wait3A_102] : memref<256x32xf32, #tpu.memory_space<vmem>> -> memref<32x32xf32, #tpu.memory_space<vmem>>
      %dma_wait3A_104 = arith.constant 0 : i32
      %dma_wait3A_105 = arith.constant 0 : i32
      %dma_wait3A_106 = tpu.memref_slice %arg4[%select_n3A, %add3A_78, %dma_wait3A_104, %dma_wait3A_105] : memref<8x32x32x32xf32, #tpu.memory_space<hbm>> -> memref<1x1x32x32xf32, #tpu.memory_space<hbm>>
      %dma_wait3A_107 = tpu.memref_squeeze %dma_wait3A_106 : memref<1x1x32x32xf32, #tpu.memory_space<hbm>> -> memref<32x32xf32, #tpu.memory_space<hbm>>
      %dma_wait3A_108 = arith.constant 0 : i32
      %dma_wait3A_109 = arith.constant 0 : i32
      %dma_wait3A_110 = tpu.memref_slice %arg4[%select_n3A, %add3A_78, %dma_wait3A_108, %dma_wait3A_109] : memref<8x32x32x32xf32, #tpu.memory_space<hbm>> -> memref<1x1x32x32xf32, #tpu.memory_space<hbm>>
      %dma_wait3A_111 = tpu.memref_squeeze %dma_wait3A_110 : memref<1x1x32x32xf32, #tpu.memory_space<hbm>> -> memref<32x32xf32, #tpu.memory_space<hbm>>
      %dma_wait3A_112 = arith.constant 96 : i32
      %dma_wait3A_113 = arith.constant 0 : i32
      %dma_wait3A_114 = tpu.memref_slice %arg6[%dma_wait3A_112, %dma_wait3A_113] : memref<256x32xf32, #tpu.memory_space<vmem>> -> memref<32x32xf32, #tpu.memory_space<vmem>>
      tpu.wait_dma2 semaphore(%run_scoped3A : memref<!tpu.dma_semaphore, #tpu.memory_space<semaphore_mem>>) src(%dma_wait3A_114 : memref<32x32xf32, #tpu.memory_space<vmem>>) dst(%dma_wait3A_111 : memref<32x32xf32, #tpu.memory_space<hbm>>)
      tpu.yield
    }) : () -> ()
    %add3A_79 = arith.constant 4 : i32
    %add3A_80 = arith.addi %mul3A_70, %add3A_79 : i32
    "tpu.region"() ({
      %run_scoped3A = tpu.sem_alloc : memref<!tpu.dma_semaphore, #tpu.memory_space<semaphore_mem>>
      %dma_start3A_87 = arith.constant 128 : i32
      %dma_start3A_88 = arith.constant 0 : i32
      %dma_start3A_89 = tpu.memref_slice %arg6[%dma_start3A_87, %dma_start3A_88] : memref<256x32xf32, #tpu.memory_space<vmem>> -> memref<32x32xf32, #tpu.memory_space<vmem>>
      %dma_start3A_90 = arith.constant 0 : i32
      %dma_start3A_91 = arith.constant 0 : i32
      %dma_start3A_92 = tpu.memref_slice %arg4[%select_n3A, %add3A_80, %dma_start3A_90, %dma_start3A_91] : memref<8x32x32x32xf32, #tpu.memory_space<hbm>> -> memref<1x1x32x32xf32, #tpu.memory_space<hbm>>
      %dma_start3A_93 = tpu.memref_squeeze %dma_start3A_92 : memref<1x1x32x32xf32, #tpu.memory_space<hbm>> -> memref<32x32xf32, #tpu.memory_space<hbm>>
      %dma_start3A_94 = arith.constant 0 : i32
      %dma_start3A_95 = arith.constant 0 : i32
      %dma_start3A_96 = tpu.memref_slice %arg4[%select_n3A, %add3A_80, %dma_start3A_94, %dma_start3A_95] : memref<8x32x32x32xf32, #tpu.memory_space<hbm>> -> memref<1x1x32x32xf32, #tpu.memory_space<hbm>>
      %dma_start3A_97 = tpu.memref_squeeze %dma_start3A_96 : memref<1x1x32x32xf32, #tpu.memory_space<hbm>> -> memref<32x32xf32, #tpu.memory_space<hbm>>
      %dma_start3A_98 = arith.constant 128 : i32
      %dma_start3A_99 = arith.constant 0 : i32
      %dma_start3A_100 = tpu.memref_slice %arg6[%dma_start3A_98, %dma_start3A_99] : memref<256x32xf32, #tpu.memory_space<vmem>> -> memref<32x32xf32, #tpu.memory_space<vmem>>
      tpu.enqueue_dma source(%dma_start3A_100 : memref<32x32xf32, #tpu.memory_space<vmem>>) target(%dma_start3A_97 : memref<32x32xf32, #tpu.memory_space<hbm>>) target_semaphore(%run_scoped3A : memref<!tpu.dma_semaphore, #tpu.memory_space<semaphore_mem>>)
      %dma_wait3A_101 = arith.constant 128 : i32
      %dma_wait3A_102 = arith.constant 0 : i32
      %dma_wait3A_103 = tpu.memref_slice %arg6[%dma_wait3A_101, %dma_wait3A_102] : memref<256x32xf32, #tpu.memory_space<vmem>> -> memref<32x32xf32, #tpu.memory_space<vmem>>
      %dma_wait3A_104 = arith.constant 0 : i32
      %dma_wait3A_105 = arith.constant 0 : i32
      %dma_wait3A_106 = tpu.memref_slice %arg4[%select_n3A, %add3A_80, %dma_wait3A_104, %dma_wait3A_105] : memref<8x32x32x32xf32, #tpu.memory_space<hbm>> -> memref<1x1x32x32xf32, #tpu.memory_space<hbm>>
      %dma_wait3A_107 = tpu.memref_squeeze %dma_wait3A_106 : memref<1x1x32x32xf32, #tpu.memory_space<hbm>> -> memref<32x32xf32, #tpu.memory_space<hbm>>
      %dma_wait3A_108 = arith.constant 0 : i32
      %dma_wait3A_109 = arith.constant 0 : i32
      %dma_wait3A_110 = tpu.memref_slice %arg4[%select_n3A, %add3A_80, %dma_wait3A_108, %dma_wait3A_109] : memref<8x32x32x32xf32, #tpu.memory_space<hbm>> -> memref<1x1x32x32xf32, #tpu.memory_space<hbm>>
      %dma_wait3A_111 = tpu.memref_squeeze %dma_wait3A_110 : memref<1x1x32x32xf32, #tpu.memory_space<hbm>> -> memref<32x32xf32, #tpu.memory_space<hbm>>
      %dma_wait3A_112 = arith.constant 128 : i32
      %dma_wait3A_113 = arith.constant 0 : i32
      %dma_wait3A_114 = tpu.memref_slice %arg6[%dma_wait3A_112, %dma_wait3A_113] : memref<256x32xf32, #tpu.memory_space<vmem>> -> memref<32x32xf32, #tpu.memory_space<vmem>>
      tpu.wait_dma2 semaphore(%run_scoped3A : memref<!tpu.dma_semaphore, #tpu.memory_space<semaphore_mem>>) src(%dma_wait3A_114 : memref<32x32xf32, #tpu.memory_space<vmem>>) dst(%dma_wait3A_111 : memref<32x32xf32, #tpu.memory_space<hbm>>)
      tpu.yield
    }) : () -> ()
    %add3A_81 = arith.constant 5 : i32
    %add3A_82 = arith.addi %mul3A_70, %add3A_81 : i32
    "tpu.region"() ({
      %run_scoped3A = tpu.sem_alloc : memref<!tpu.dma_semaphore, #tpu.memory_space<semaphore_mem>>
      %dma_start3A_87 = arith.constant 160 : i32
      %dma_start3A_88 = arith.constant 0 : i32
      %dma_start3A_89 = tpu.memref_slice %arg6[%dma_start3A_87, %dma_start3A_88] : memref<256x32xf32, #tpu.memory_space<vmem>> -> memref<32x32xf32, #tpu.memory_space<vmem>>
      %dma_start3A_90 = arith.constant 0 : i32
      %dma_start3A_91 = arith.constant 0 : i32
      %dma_start3A_92 = tpu.memref_slice %arg4[%select_n3A, %add3A_82, %dma_start3A_90, %dma_start3A_91] : memref<8x32x32x32xf32, #tpu.memory_space<hbm>> -> memref<1x1x32x32xf32, #tpu.memory_space<hbm>>
      %dma_start3A_93 = tpu.memref_squeeze %dma_start3A_92 : memref<1x1x32x32xf32, #tpu.memory_space<hbm>> -> memref<32x32xf32, #tpu.memory_space<hbm>>
      %dma_start3A_94 = arith.constant 0 : i32
      %dma_start3A_95 = arith.constant 0 : i32
      %dma_start3A_96 = tpu.memref_slice %arg4[%select_n3A, %add3A_82, %dma_start3A_94, %dma_start3A_95] : memref<8x32x32x32xf32, #tpu.memory_space<hbm>> -> memref<1x1x32x32xf32, #tpu.memory_space<hbm>>
      %dma_start3A_97 = tpu.memref_squeeze %dma_start3A_96 : memref<1x1x32x32xf32, #tpu.memory_space<hbm>> -> memref<32x32xf32, #tpu.memory_space<hbm>>
      %dma_start3A_98 = arith.constant 160 : i32
      %dma_start3A_99 = arith.constant 0 : i32
      %dma_start3A_100 = tpu.memref_slice %arg6[%dma_start3A_98, %dma_start3A_99] : memref<256x32xf32, #tpu.memory_space<vmem>> -> memref<32x32xf32, #tpu.memory_space<vmem>>
      tpu.enqueue_dma source(%dma_start3A_100 : memref<32x32xf32, #tpu.memory_space<vmem>>) target(%dma_start3A_97 : memref<32x32xf32, #tpu.memory_space<hbm>>) target_semaphore(%run_scoped3A : memref<!tpu.dma_semaphore, #tpu.memory_space<semaphore_mem>>)
      %dma_wait3A_101 = arith.constant 160 : i32
      %dma_wait3A_102 = arith.constant 0 : i32
      %dma_wait3A_103 = tpu.memref_slice %arg6[%dma_wait3A_101, %dma_wait3A_102] : memref<256x32xf32, #tpu.memory_space<vmem>> -> memref<32x32xf32, #tpu.memory_space<vmem>>
      %dma_wait3A_104 = arith.constant 0 : i32
      %dma_wait3A_105 = arith.constant 0 : i32
      %dma_wait3A_106 = tpu.memref_slice %arg4[%select_n3A, %add3A_82, %dma_wait3A_104, %dma_wait3A_105] : memref<8x32x32x32xf32, #tpu.memory_space<hbm>> -> memref<1x1x32x32xf32, #tpu.memory_space<hbm>>
      %dma_wait3A_107 = tpu.memref_squeeze %dma_wait3A_106 : memref<1x1x32x32xf32, #tpu.memory_space<hbm>> -> memref<32x32xf32, #tpu.memory_space<hbm>>
      %dma_wait3A_108 = arith.constant 0 : i32
      %dma_wait3A_109 = arith.constant 0 : i32
      %dma_wait3A_110 = tpu.memref_slice %arg4[%select_n3A, %add3A_82, %dma_wait3A_108, %dma_wait3A_109] : memref<8x32x32x32xf32, #tpu.memory_space<hbm>> -> memref<1x1x32x32xf32, #tpu.memory_space<hbm>>
      %dma_wait3A_111 = tpu.memref_squeeze %dma_wait3A_110 : memref<1x1x32x32xf32, #tpu.memory_space<hbm>> -> memref<32x32xf32, #tpu.memory_space<hbm>>
      %dma_wait3A_112 = arith.constant 160 : i32
      %dma_wait3A_113 = arith.constant 0 : i32
      %dma_wait3A_114 = tpu.memref_slice %arg6[%dma_wait3A_112, %dma_wait3A_113] : memref<256x32xf32, #tpu.memory_space<vmem>> -> memref<32x32xf32, #tpu.memory_space<vmem>>
      tpu.wait_dma2 semaphore(%run_scoped3A : memref<!tpu.dma_semaphore, #tpu.memory_space<semaphore_mem>>) src(%dma_wait3A_114 : memref<32x32xf32, #tpu.memory_space<vmem>>) dst(%dma_wait3A_111 : memref<32x32xf32, #tpu.memory_space<hbm>>)
      tpu.yield
    }) : () -> ()
    %add3A_83 = arith.constant 6 : i32
    %add3A_84 = arith.addi %mul3A_70, %add3A_83 : i32
    "tpu.region"() ({
      %run_scoped3A = tpu.sem_alloc : memref<!tpu.dma_semaphore, #tpu.memory_space<semaphore_mem>>
      %dma_start3A_87 = arith.constant 192 : i32
      %dma_start3A_88 = arith.constant 0 : i32
      %dma_start3A_89 = tpu.memref_slice %arg6[%dma_start3A_87, %dma_start3A_88] : memref<256x32xf32, #tpu.memory_space<vmem>> -> memref<32x32xf32, #tpu.memory_space<vmem>>
      %dma_start3A_90 = arith.constant 0 : i32
      %dma_start3A_91 = arith.constant 0 : i32
      %dma_start3A_92 = tpu.memref_slice %arg4[%select_n3A, %add3A_84, %dma_start3A_90, %dma_start3A_91] : memref<8x32x32x32xf32, #tpu.memory_space<hbm>> -> memref<1x1x32x32xf32, #tpu.memory_space<hbm>>
      %dma_start3A_93 = tpu.memref_squeeze %dma_start3A_92 : memref<1x1x32x32xf32, #tpu.memory_space<hbm>> -> memref<32x32xf32, #tpu.memory_space<hbm>>
      %dma_start3A_94 = arith.constant 0 : i32
      %dma_start3A_95 = arith.constant 0 : i32
      %dma_start3A_96 = tpu.memref_slice %arg4[%select_n3A, %add3A_84, %dma_start3A_94, %dma_start3A_95] : memref<8x32x32x32xf32, #tpu.memory_space<hbm>> -> memref<1x1x32x32xf32, #tpu.memory_space<hbm>>
      %dma_start3A_97 = tpu.memref_squeeze %dma_start3A_96 : memref<1x1x32x32xf32, #tpu.memory_space<hbm>> -> memref<32x32xf32, #tpu.memory_space<hbm>>
      %dma_start3A_98 = arith.constant 192 : i32
      %dma_start3A_99 = arith.constant 0 : i32
      %dma_start3A_100 = tpu.memref_slice %arg6[%dma_start3A_98, %dma_start3A_99] : memref<256x32xf32, #tpu.memory_space<vmem>> -> memref<32x32xf32, #tpu.memory_space<vmem>>
      tpu.enqueue_dma source(%dma_start3A_100 : memref<32x32xf32, #tpu.memory_space<vmem>>) target(%dma_start3A_97 : memref<32x32xf32, #tpu.memory_space<hbm>>) target_semaphore(%run_scoped3A : memref<!tpu.dma_semaphore, #tpu.memory_space<semaphore_mem>>)
      %dma_wait3A_101 = arith.constant 192 : i32
      %dma_wait3A_102 = arith.constant 0 : i32
      %dma_wait3A_103 = tpu.memref_slice %arg6[%dma_wait3A_101, %dma_wait3A_102] : memref<256x32xf32, #tpu.memory_space<vmem>> -> memref<32x32xf32, #tpu.memory_space<vmem>>
      %dma_wait3A_104 = arith.constant 0 : i32
      %dma_wait3A_105 = arith.constant 0 : i32
      %dma_wait3A_106 = tpu.memref_slice %arg4[%select_n3A, %add3A_84, %dma_wait3A_104, %dma_wait3A_105] : memref<8x32x32x32xf32, #tpu.memory_space<hbm>> -> memref<1x1x32x32xf32, #tpu.memory_space<hbm>>
      %dma_wait3A_107 = tpu.memref_squeeze %dma_wait3A_106 : memref<1x1x32x32xf32, #tpu.memory_space<hbm>> -> memref<32x32xf32, #tpu.memory_space<hbm>>
      %dma_wait3A_108 = arith.constant 0 : i32
      %dma_wait3A_109 = arith.constant 0 : i32
      %dma_wait3A_110 = tpu.memref_slice %arg4[%select_n3A, %add3A_84, %dma_wait3A_108, %dma_wait3A_109] : memref<8x32x32x32xf32, #tpu.memory_space<hbm>> -> memref<1x1x32x32xf32, #tpu.memory_space<hbm>>
      %dma_wait3A_111 = tpu.memref_squeeze %dma_wait3A_110 : memref<1x1x32x32xf32, #tpu.memory_space<hbm>> -> memref<32x32xf32, #tpu.memory_space<hbm>>
      %dma_wait3A_112 = arith.constant 192 : i32
      %dma_wait3A_113 = arith.constant 0 : i32
      %dma_wait3A_114 = tpu.memref_slice %arg6[%dma_wait3A_112, %dma_wait3A_113] : memref<256x32xf32, #tpu.memory_space<vmem>> -> memref<32x32xf32, #tpu.memory_space<vmem>>
      tpu.wait_dma2 semaphore(%run_scoped3A : memref<!tpu.dma_semaphore, #tpu.memory_space<semaphore_mem>>) src(%dma_wait3A_114 : memref<32x32xf32, #tpu.memory_space<vmem>>) dst(%dma_wait3A_111 : memref<32x32xf32, #tpu.memory_space<hbm>>)
      tpu.yield
    }) : () -> ()
    %add3A_85 = arith.constant 7 : i32
    %add3A_86 = arith.addi %mul3A_70, %add3A_85 : i32
    "tpu.region"() ({
      %run_scoped3A = tpu.sem_alloc : memref<!tpu.dma_semaphore, #tpu.memory_space<semaphore_mem>>
      %dma_start3A_87 = arith.constant 224 : i32
      %dma_start3A_88 = arith.constant 0 : i32
      %dma_start3A_89 = tpu.memref_slice %arg6[%dma_start3A_87, %dma_start3A_88] : memref<256x32xf32, #tpu.memory_space<vmem>> -> memref<32x32xf32, #tpu.memory_space<vmem>>
      %dma_start3A_90 = arith.constant 0 : i32
      %dma_start3A_91 = arith.constant 0 : i32
      %dma_start3A_92 = tpu.memref_slice %arg4[%select_n3A, %add3A_86, %dma_start3A_90, %dma_start3A_91] : memref<8x32x32x32xf32, #tpu.memory_space<hbm>> -> memref<1x1x32x32xf32, #tpu.memory_space<hbm>>
      %dma_start3A_93 = tpu.memref_squeeze %dma_start3A_92 : memref<1x1x32x32xf32, #tpu.memory_space<hbm>> -> memref<32x32xf32, #tpu.memory_space<hbm>>
      %dma_start3A_94 = arith.constant 0 : i32
      %dma_start3A_95 = arith.constant 0 : i32
      %dma_start3A_96 = tpu.memref_slice %arg4[%select_n3A, %add3A_86, %dma_start3A_94, %dma_start3A_95] : memref<8x32x32x32xf32, #tpu.memory_space<hbm>> -> memref<1x1x32x32xf32, #tpu.memory_space<hbm>>
      %dma_start3A_97 = tpu.memref_squeeze %dma_start3A_96 : memref<1x1x32x32xf32, #tpu.memory_space<hbm>> -> memref<32x32xf32, #tpu.memory_space<hbm>>
      %dma_start3A_98 = arith.constant 224 : i32
      %dma_start3A_99 = arith.constant 0 : i32
      %dma_start3A_100 = tpu.memref_slice %arg6[%dma_start3A_98, %dma_start3A_99] : memref<256x32xf32, #tpu.memory_space<vmem>> -> memref<32x32xf32, #tpu.memory_space<vmem>>
      tpu.enqueue_dma source(%dma_start3A_100 : memref<32x32xf32, #tpu.memory_space<vmem>>) target(%dma_start3A_97 : memref<32x32xf32, #tpu.memory_space<hbm>>) target_semaphore(%run_scoped3A : memref<!tpu.dma_semaphore, #tpu.memory_space<semaphore_mem>>)
      %dma_wait3A_101 = arith.constant 224 : i32
      %dma_wait3A_102 = arith.constant 0 : i32
      %dma_wait3A_103 = tpu.memref_slice %arg6[%dma_wait3A_101, %dma_wait3A_102] : memref<256x32xf32, #tpu.memory_space<vmem>> -> memref<32x32xf32, #tpu.memory_space<vmem>>
      %dma_wait3A_104 = arith.constant 0 : i32
      %dma_wait3A_105 = arith.constant 0 : i32
      %dma_wait3A_106 = tpu.memref_slice %arg4[%select_n3A, %add3A_86, %dma_wait3A_104, %dma_wait3A_105] : memref<8x32x32x32xf32, #tpu.memory_space<hbm>> -> memref<1x1x32x32xf32, #tpu.memory_space<hbm>>
      %dma_wait3A_107 = tpu.memref_squeeze %dma_wait3A_106 : memref<1x1x32x32xf32, #tpu.memory_space<hbm>> -> memref<32x32xf32, #tpu.memory_space<hbm>>
      %dma_wait3A_108 = arith.constant 0 : i32
      %dma_wait3A_109 = arith.constant 0 : i32
      %dma_wait3A_110 = tpu.memref_slice %arg4[%select_n3A, %add3A_86, %dma_wait3A_108, %dma_wait3A_109] : memref<8x32x32x32xf32, #tpu.memory_space<hbm>> -> memref<1x1x32x32xf32, #tpu.memory_space<hbm>>
      %dma_wait3A_111 = tpu.memref_squeeze %dma_wait3A_110 : memref<1x1x32x32xf32, #tpu.memory_space<hbm>> -> memref<32x32xf32, #tpu.memory_space<hbm>>
      %dma_wait3A_112 = arith.constant 224 : i32
      %dma_wait3A_113 = arith.constant 0 : i32
      %dma_wait3A_114 = tpu.memref_slice %arg6[%dma_wait3A_112, %dma_wait3A_113] : memref<256x32xf32, #tpu.memory_space<vmem>> -> memref<32x32xf32, #tpu.memory_space<vmem>>
      tpu.wait_dma2 semaphore(%run_scoped3A : memref<!tpu.dma_semaphore, #tpu.memory_space<semaphore_mem>>) src(%dma_wait3A_114 : memref<32x32xf32, #tpu.memory_space<vmem>>) dst(%dma_wait3A_111 : memref<32x32xf32, #tpu.memory_space<hbm>>)
      tpu.yield
    }) : () -> ()
    return
  }
}

module attributes {stable_mosaic.version = 14 : i64} {
  func.func @_dist_argmin_body(%arg0: i32, %arg1: memref<1x32x32x32xf32, #tpu.memory_space<vmem>>, %arg2: memref<32x8192xf32, #tpu.memory_space<vmem>>, %arg3: memref<4x2x128xi32, #tpu.memory_space<vmem>>, %arg4: memref<1024x32xf32, #tpu.memory_space<vmem>>) attributes {dimension_semantics = [#tpu.dimension_semantics<parallel>], iteration_bounds = array<i64: 8>, scalar_prefetch = 0 : i64, scratch_operands = 0 : i64, tpu.core_type = #tpu.core_type<tc>, window_params = [{transform_indices = @transform_0, window_bounds = array<i64: 1, 32, 32, 32>}, {pipeline_mode = #tpu.pipeline_mode<synchronous>, transform_indices = @transform_1, window_bounds = array<i64: 32, 8192>}, {transform_indices = @transform_2, window_bounds = array<i64: 4, 2, 128>}, {transform_indices = @transform_3, window_bounds = array<i64: 1024, 32>}]} {
    %get3A = arith.constant 0 : index
    %get3A_0 = arith.constant 0 : index
    %get3A_1 = arith.constant 0 : index
    %get3A_2 = arith.constant 0 : index
    %get3A_3 = vector.load %arg1[%get3A, %get3A_0, %get3A_1, %get3A_2] : memref<1x32x32x32xf32, #tpu.memory_space<vmem>>, vector<1x32x32x32xf32>
    %reshape3A = vector.shape_cast %get3A_3 : vector<1x32x32x32xf32> to vector<1024x32xf32>
    %get3A_4 = arith.constant 0 : index
    %get3A_5 = arith.constant 0 : index
    %get3A_6 = vector.load %arg2[%get3A_4, %get3A_5] : memref<32x8192xf32, #tpu.memory_space<vmem>>, vector<32x8192xf32>
    %mul3A = arith.mulf %reshape3A, %reshape3A : vector<1024x32xf32>
    %reduce_sum3A = arith.constant dense<0.000000e+00> : vector<1024xf32>
    %reduce_sum3A_7 = vector.multi_reduction <add>, %mul3A, %reduce_sum3A [1] : vector<1024x32xf32> to vector<1024xf32>
    %broadcast_in_dim3A = vector.shape_cast %reduce_sum3A_7 : vector<1024xf32> to vector<1024x1xf32>
    %mul3A_8 = arith.constant 2.000000e+00 : f32
    %mul3A_9 = vector.broadcast %mul3A_8 : f32 to vector<1024x32xf32>
    %mul3A_10 = arith.mulf %mul3A_9, %reshape3A : vector<1024x32xf32>
    %convert_element_type3A = arith.truncf %mul3A_10 : vector<1024x32xf32> to vector<1024x32xbf16>
    %convert_element_type3A_11 = arith.truncf %get3A_6 : vector<32x8192xf32> to vector<32x8192xbf16>
    %dot_general3A = arith.constant dense<0.000000e+00> : vector<1024x8192xf32>
    %dot_general3A_12 = tpu.matmul %convert_element_type3A, %convert_element_type3A_11, %dot_general3A {dimension_numbers = #tpu.dot_dimension_numbers<[1], [0], [0], [1], [0, 0, 1, 1], [], []>, transpose_lhs_hint = false} : vector<1024x32xbf16>, vector<32x8192xbf16>, vector<1024x8192xf32> -> vector<1024x8192xf32>
    %mul3A_13 = arith.mulf %get3A_6, %get3A_6 : vector<32x8192xf32>
    %reduce_sum3A_14 = arith.constant dense<0.000000e+00> : vector<8192xf32>
    %reduce_sum3A_15 = vector.multi_reduction <add>, %mul3A_13, %reduce_sum3A_14 [0] : vector<32x8192xf32> to vector<8192xf32>
    %broadcast_in_dim3A_16 = vector.shape_cast %reduce_sum3A_15 : vector<8192xf32> to vector<1x8192xf32>
    %iota3A = tpu.iota {dimensions = array<i32: 1>} : vector<1024x128xi32>
    %convert_element_type3A_17 = arith.sitofp %iota3A : vector<1024x128xi32> to vector<1024x128xf32>
    %broadcast_in_dim3A_18 = arith.constant 0x7F800000 : f32
    %broadcast_in_dim3A_19 = vector.broadcast %broadcast_in_dim3A_18 : f32 to vector<1024xf32>
    %broadcast_in_dim3A_20 = arith.constant 0.000000e+00 : f32
    %broadcast_in_dim3A_21 = vector.broadcast %broadcast_in_dim3A_20 : f32 to vector<1024xf32>
    %broadcast_in_dim3A_22 = arith.constant 0x7F800000 : f32
    %broadcast_in_dim3A_23 = vector.broadcast %broadcast_in_dim3A_22 : f32 to vector<1024x128xf32>
    %broadcast_in_dim3A_24 = arith.constant 0.000000e+00 : f32
    %broadcast_in_dim3A_25 = vector.broadcast %broadcast_in_dim3A_24 : f32 to vector<1024x128xf32>
    %slice3A = vector.extract_strided_slice %dot_general3A_12 {offsets = [0, 0], sizes = [1024, 128], strides = [1, 1]} : vector<1024x8192xf32> to vector<1024x128xf32>
    %sub3A = vector.broadcast %broadcast_in_dim3A : vector<1024x1xf32> to vector<1024x128xf32>
    %sub3A_26 = arith.subf %sub3A, %slice3A : vector<1024x128xf32>
    %slice3A_27 = vector.extract_strided_slice %broadcast_in_dim3A_16 {offsets = [0, 0], sizes = [1, 128], strides = [1, 1]} : vector<1x8192xf32> to vector<1x128xf32>
    %add3A = vector.broadcast %slice3A_27 : vector<1x128xf32> to vector<1024x128xf32>
    %add3A_28 = arith.addf %sub3A_26, %add3A : vector<1024x128xf32>
    %lt3A = arith.cmpf olt, %add3A_28, %broadcast_in_dim3A_23 : vector<1024x128xf32>
    %select_n3A = arith.select %lt3A, %add3A_28, %broadcast_in_dim3A_23 : vector<1024x128xi1>, vector<1024x128xf32>
    %jit3A = arith.constant 0.000000e+00 : f32
    %broadcast_in_dim3A_29 = vector.broadcast %jit3A : f32 to vector<1024x128xf32>
    %select_n3A_30 = arith.select %lt3A, %broadcast_in_dim3A_29, %broadcast_in_dim3A_25 : vector<1024x128xi1>, vector<1024x128xf32>
    %slice3A_31 = vector.extract_strided_slice %dot_general3A_12 {offsets = [0, 128], sizes = [1024, 128], strides = [1, 1]} : vector<1024x8192xf32> to vector<1024x128xf32>
    %sub3A_32 = vector.broadcast %broadcast_in_dim3A : vector<1024x1xf32> to vector<1024x128xf32>
    %sub3A_33 = arith.subf %sub3A_32, %slice3A_31 : vector<1024x128xf32>
    %slice3A_34 = vector.extract_strided_slice %broadcast_in_dim3A_16 {offsets = [0, 128], sizes = [1, 128], strides = [1, 1]} : vector<1x8192xf32> to vector<1x128xf32>
    %add3A_35 = vector.broadcast %slice3A_34 : vector<1x128xf32> to vector<1024x128xf32>
    %add3A_36 = arith.addf %sub3A_33, %add3A_35 : vector<1024x128xf32>
    %lt3A_37 = arith.cmpf olt, %add3A_36, %select_n3A : vector<1024x128xf32>
    %select_n3A_38 = arith.select %lt3A_37, %add3A_36, %select_n3A : vector<1024x128xi1>, vector<1024x128xf32>
    %jit3A_39 = arith.constant 1.000000e+00 : f32
    %broadcast_in_dim3A_40 = vector.broadcast %jit3A_39 : f32 to vector<1024x128xf32>
    %select_n3A_41 = arith.select %lt3A_37, %broadcast_in_dim3A_40, %select_n3A_30 : vector<1024x128xi1>, vector<1024x128xf32>
    %slice3A_42 = vector.extract_strided_slice %dot_general3A_12 {offsets = [0, 256], sizes = [1024, 128], strides = [1, 1]} : vector<1024x8192xf32> to vector<1024x128xf32>
    %sub3A_43 = vector.broadcast %broadcast_in_dim3A : vector<1024x1xf32> to vector<1024x128xf32>
    %sub3A_44 = arith.subf %sub3A_43, %slice3A_42 : vector<1024x128xf32>
    %slice3A_45 = vector.extract_strided_slice %broadcast_in_dim3A_16 {offsets = [0, 256], sizes = [1, 128], strides = [1, 1]} : vector<1x8192xf32> to vector<1x128xf32>
    %add3A_46 = vector.broadcast %slice3A_45 : vector<1x128xf32> to vector<1024x128xf32>
    %add3A_47 = arith.addf %sub3A_44, %add3A_46 : vector<1024x128xf32>
    %lt3A_48 = arith.cmpf olt, %add3A_47, %select_n3A_38 : vector<1024x128xf32>
    %select_n3A_49 = arith.select %lt3A_48, %add3A_47, %select_n3A_38 : vector<1024x128xi1>, vector<1024x128xf32>
    %jit3A_50 = arith.constant 2.000000e+00 : f32
    %broadcast_in_dim3A_51 = vector.broadcast %jit3A_50 : f32 to vector<1024x128xf32>
    %select_n3A_52 = arith.select %lt3A_48, %broadcast_in_dim3A_51, %select_n3A_41 : vector<1024x128xi1>, vector<1024x128xf32>
    %slice3A_53 = vector.extract_strided_slice %dot_general3A_12 {offsets = [0, 384], sizes = [1024, 128], strides = [1, 1]} : vector<1024x8192xf32> to vector<1024x128xf32>
    %sub3A_54 = vector.broadcast %broadcast_in_dim3A : vector<1024x1xf32> to vector<1024x128xf32>
    %sub3A_55 = arith.subf %sub3A_54, %slice3A_53 : vector<1024x128xf32>
    %slice3A_56 = vector.extract_strided_slice %broadcast_in_dim3A_16 {offsets = [0, 384], sizes = [1, 128], strides = [1, 1]} : vector<1x8192xf32> to vector<1x128xf32>
    %add3A_57 = vector.broadcast %slice3A_56 : vector<1x128xf32> to vector<1024x128xf32>
    %add3A_58 = arith.addf %sub3A_55, %add3A_57 : vector<1024x128xf32>
    %lt3A_59 = arith.cmpf olt, %add3A_58, %select_n3A_49 : vector<1024x128xf32>
    %select_n3A_60 = arith.select %lt3A_59, %add3A_58, %select_n3A_49 : vector<1024x128xi1>, vector<1024x128xf32>
    %jit3A_61 = arith.constant 3.000000e+00 : f32
    %broadcast_in_dim3A_62 = vector.broadcast %jit3A_61 : f32 to vector<1024x128xf32>
    %select_n3A_63 = arith.select %lt3A_59, %broadcast_in_dim3A_62, %select_n3A_52 : vector<1024x128xi1>, vector<1024x128xf32>
    %slice3A_64 = vector.extract_strided_slice %dot_general3A_12 {offsets = [0, 512], sizes = [1024, 128], strides = [1, 1]} : vector<1024x8192xf32> to vector<1024x128xf32>
    %sub3A_65 = vector.broadcast %broadcast_in_dim3A : vector<1024x1xf32> to vector<1024x128xf32>
    %sub3A_66 = arith.subf %sub3A_65, %slice3A_64 : vector<1024x128xf32>
    %slice3A_67 = vector.extract_strided_slice %broadcast_in_dim3A_16 {offsets = [0, 512], sizes = [1, 128], strides = [1, 1]} : vector<1x8192xf32> to vector<1x128xf32>
    %add3A_68 = vector.broadcast %slice3A_67 : vector<1x128xf32> to vector<1024x128xf32>
    %add3A_69 = arith.addf %sub3A_66, %add3A_68 : vector<1024x128xf32>
    %lt3A_70 = arith.cmpf olt, %add3A_69, %select_n3A_60 : vector<1024x128xf32>
    %select_n3A_71 = arith.select %lt3A_70, %add3A_69, %select_n3A_60 : vector<1024x128xi1>, vector<1024x128xf32>
    %jit3A_72 = arith.constant 4.000000e+00 : f32
    %broadcast_in_dim3A_73 = vector.broadcast %jit3A_72 : f32 to vector<1024x128xf32>
    %select_n3A_74 = arith.select %lt3A_70, %broadcast_in_dim3A_73, %select_n3A_63 : vector<1024x128xi1>, vector<1024x128xf32>
    %slice3A_75 = vector.extract_strided_slice %dot_general3A_12 {offsets = [0, 640], sizes = [1024, 128], strides = [1, 1]} : vector<1024x8192xf32> to vector<1024x128xf32>
    %sub3A_76 = vector.broadcast %broadcast_in_dim3A : vector<1024x1xf32> to vector<1024x128xf32>
    %sub3A_77 = arith.subf %sub3A_76, %slice3A_75 : vector<1024x128xf32>
    %slice3A_78 = vector.extract_strided_slice %broadcast_in_dim3A_16 {offsets = [0, 640], sizes = [1, 128], strides = [1, 1]} : vector<1x8192xf32> to vector<1x128xf32>
    %add3A_79 = vector.broadcast %slice3A_78 : vector<1x128xf32> to vector<1024x128xf32>
    %add3A_80 = arith.addf %sub3A_77, %add3A_79 : vector<1024x128xf32>
    %lt3A_81 = arith.cmpf olt, %add3A_80, %select_n3A_71 : vector<1024x128xf32>
    %select_n3A_82 = arith.select %lt3A_81, %add3A_80, %select_n3A_71 : vector<1024x128xi1>, vector<1024x128xf32>
    %jit3A_83 = arith.constant 5.000000e+00 : f32
    %broadcast_in_dim3A_84 = vector.broadcast %jit3A_83 : f32 to vector<1024x128xf32>
    %select_n3A_85 = arith.select %lt3A_81, %broadcast_in_dim3A_84, %select_n3A_74 : vector<1024x128xi1>, vector<1024x128xf32>
    %slice3A_86 = vector.extract_strided_slice %dot_general3A_12 {offsets = [0, 768], sizes = [1024, 128], strides = [1, 1]} : vector<1024x8192xf32> to vector<1024x128xf32>
    %sub3A_87 = vector.broadcast %broadcast_in_dim3A : vector<1024x1xf32> to vector<1024x128xf32>
    %sub3A_88 = arith.subf %sub3A_87, %slice3A_86 : vector<1024x128xf32>
    %slice3A_89 = vector.extract_strided_slice %broadcast_in_dim3A_16 {offsets = [0, 768], sizes = [1, 128], strides = [1, 1]} : vector<1x8192xf32> to vector<1x128xf32>
    %add3A_90 = vector.broadcast %slice3A_89 : vector<1x128xf32> to vector<1024x128xf32>
    %add3A_91 = arith.addf %sub3A_88, %add3A_90 : vector<1024x128xf32>
    %lt3A_92 = arith.cmpf olt, %add3A_91, %select_n3A_82 : vector<1024x128xf32>
    %select_n3A_93 = arith.select %lt3A_92, %add3A_91, %select_n3A_82 : vector<1024x128xi1>, vector<1024x128xf32>
    %jit3A_94 = arith.constant 6.000000e+00 : f32
    %broadcast_in_dim3A_95 = vector.broadcast %jit3A_94 : f32 to vector<1024x128xf32>
    %select_n3A_96 = arith.select %lt3A_92, %broadcast_in_dim3A_95, %select_n3A_85 : vector<1024x128xi1>, vector<1024x128xf32>
    %slice3A_97 = vector.extract_strided_slice %dot_general3A_12 {offsets = [0, 896], sizes = [1024, 128], strides = [1, 1]} : vector<1024x8192xf32> to vector<1024x128xf32>
    %sub3A_98 = vector.broadcast %broadcast_in_dim3A : vector<1024x1xf32> to vector<1024x128xf32>
    %sub3A_99 = arith.subf %sub3A_98, %slice3A_97 : vector<1024x128xf32>
    %slice3A_100 = vector.extract_strided_slice %broadcast_in_dim3A_16 {offsets = [0, 896], sizes = [1, 128], strides = [1, 1]} : vector<1x8192xf32> to vector<1x128xf32>
    %add3A_101 = vector.broadcast %slice3A_100 : vector<1x128xf32> to vector<1024x128xf32>
    %add3A_102 = arith.addf %sub3A_99, %add3A_101 : vector<1024x128xf32>
    %lt3A_103 = arith.cmpf olt, %add3A_102, %select_n3A_93 : vector<1024x128xf32>
    %select_n3A_104 = arith.select %lt3A_103, %add3A_102, %select_n3A_93 : vector<1024x128xi1>, vector<1024x128xf32>
    %jit3A_105 = arith.constant 7.000000e+00 : f32
    %broadcast_in_dim3A_106 = vector.broadcast %jit3A_105 : f32 to vector<1024x128xf32>
    %select_n3A_107 = arith.select %lt3A_103, %broadcast_in_dim3A_106, %select_n3A_96 : vector<1024x128xi1>, vector<1024x128xf32>
    %slice3A_108 = vector.extract_strided_slice %dot_general3A_12 {offsets = [0, 1024], sizes = [1024, 128], strides = [1, 1]} : vector<1024x8192xf32> to vector<1024x128xf32>
    %sub3A_109 = vector.broadcast %broadcast_in_dim3A : vector<1024x1xf32> to vector<1024x128xf32>
    %sub3A_110 = arith.subf %sub3A_109, %slice3A_108 : vector<1024x128xf32>
    %slice3A_111 = vector.extract_strided_slice %broadcast_in_dim3A_16 {offsets = [0, 1024], sizes = [1, 128], strides = [1, 1]} : vector<1x8192xf32> to vector<1x128xf32>
    %add3A_112 = vector.broadcast %slice3A_111 : vector<1x128xf32> to vector<1024x128xf32>
    %add3A_113 = arith.addf %sub3A_110, %add3A_112 : vector<1024x128xf32>
    %lt3A_114 = arith.cmpf olt, %add3A_113, %select_n3A_104 : vector<1024x128xf32>
    %select_n3A_115 = arith.select %lt3A_114, %add3A_113, %select_n3A_104 : vector<1024x128xi1>, vector<1024x128xf32>
    %jit3A_116 = arith.constant 8.000000e+00 : f32
    %broadcast_in_dim3A_117 = vector.broadcast %jit3A_116 : f32 to vector<1024x128xf32>
    %select_n3A_118 = arith.select %lt3A_114, %broadcast_in_dim3A_117, %select_n3A_107 : vector<1024x128xi1>, vector<1024x128xf32>
    %slice3A_119 = vector.extract_strided_slice %dot_general3A_12 {offsets = [0, 1152], sizes = [1024, 128], strides = [1, 1]} : vector<1024x8192xf32> to vector<1024x128xf32>
    %sub3A_120 = vector.broadcast %broadcast_in_dim3A : vector<1024x1xf32> to vector<1024x128xf32>
    %sub3A_121 = arith.subf %sub3A_120, %slice3A_119 : vector<1024x128xf32>
    %slice3A_122 = vector.extract_strided_slice %broadcast_in_dim3A_16 {offsets = [0, 1152], sizes = [1, 128], strides = [1, 1]} : vector<1x8192xf32> to vector<1x128xf32>
    %add3A_123 = vector.broadcast %slice3A_122 : vector<1x128xf32> to vector<1024x128xf32>
    %add3A_124 = arith.addf %sub3A_121, %add3A_123 : vector<1024x128xf32>
    %lt3A_125 = arith.cmpf olt, %add3A_124, %select_n3A_115 : vector<1024x128xf32>
    %select_n3A_126 = arith.select %lt3A_125, %add3A_124, %select_n3A_115 : vector<1024x128xi1>, vector<1024x128xf32>
    %jit3A_127 = arith.constant 9.000000e+00 : f32
    %broadcast_in_dim3A_128 = vector.broadcast %jit3A_127 : f32 to vector<1024x128xf32>
    %select_n3A_129 = arith.select %lt3A_125, %broadcast_in_dim3A_128, %select_n3A_118 : vector<1024x128xi1>, vector<1024x128xf32>
    %slice3A_130 = vector.extract_strided_slice %dot_general3A_12 {offsets = [0, 1280], sizes = [1024, 128], strides = [1, 1]} : vector<1024x8192xf32> to vector<1024x128xf32>
    %sub3A_131 = vector.broadcast %broadcast_in_dim3A : vector<1024x1xf32> to vector<1024x128xf32>
    %sub3A_132 = arith.subf %sub3A_131, %slice3A_130 : vector<1024x128xf32>
    %slice3A_133 = vector.extract_strided_slice %broadcast_in_dim3A_16 {offsets = [0, 1280], sizes = [1, 128], strides = [1, 1]} : vector<1x8192xf32> to vector<1x128xf32>
    %add3A_134 = vector.broadcast %slice3A_133 : vector<1x128xf32> to vector<1024x128xf32>
    %add3A_135 = arith.addf %sub3A_132, %add3A_134 : vector<1024x128xf32>
    %lt3A_136 = arith.cmpf olt, %add3A_135, %select_n3A_126 : vector<1024x128xf32>
    %select_n3A_137 = arith.select %lt3A_136, %add3A_135, %select_n3A_126 : vector<1024x128xi1>, vector<1024x128xf32>
    %jit3A_138 = arith.constant 1.000000e+01 : f32
    %broadcast_in_dim3A_139 = vector.broadcast %jit3A_138 : f32 to vector<1024x128xf32>
    %select_n3A_140 = arith.select %lt3A_136, %broadcast_in_dim3A_139, %select_n3A_129 : vector<1024x128xi1>, vector<1024x128xf32>
    %slice3A_141 = vector.extract_strided_slice %dot_general3A_12 {offsets = [0, 1408], sizes = [1024, 128], strides = [1, 1]} : vector<1024x8192xf32> to vector<1024x128xf32>
    %sub3A_142 = vector.broadcast %broadcast_in_dim3A : vector<1024x1xf32> to vector<1024x128xf32>
    %sub3A_143 = arith.subf %sub3A_142, %slice3A_141 : vector<1024x128xf32>
    %slice3A_144 = vector.extract_strided_slice %broadcast_in_dim3A_16 {offsets = [0, 1408], sizes = [1, 128], strides = [1, 1]} : vector<1x8192xf32> to vector<1x128xf32>
    %add3A_145 = vector.broadcast %slice3A_144 : vector<1x128xf32> to vector<1024x128xf32>
    %add3A_146 = arith.addf %sub3A_143, %add3A_145 : vector<1024x128xf32>
    %lt3A_147 = arith.cmpf olt, %add3A_146, %select_n3A_137 : vector<1024x128xf32>
    %select_n3A_148 = arith.select %lt3A_147, %add3A_146, %select_n3A_137 : vector<1024x128xi1>, vector<1024x128xf32>
    %jit3A_149 = arith.constant 1.100000e+01 : f32
    %broadcast_in_dim3A_150 = vector.broadcast %jit3A_149 : f32 to vector<1024x128xf32>
    %select_n3A_151 = arith.select %lt3A_147, %broadcast_in_dim3A_150, %select_n3A_140 : vector<1024x128xi1>, vector<1024x128xf32>
    %slice3A_152 = vector.extract_strided_slice %dot_general3A_12 {offsets = [0, 1536], sizes = [1024, 128], strides = [1, 1]} : vector<1024x8192xf32> to vector<1024x128xf32>
    %sub3A_153 = vector.broadcast %broadcast_in_dim3A : vector<1024x1xf32> to vector<1024x128xf32>
    %sub3A_154 = arith.subf %sub3A_153, %slice3A_152 : vector<1024x128xf32>
    %slice3A_155 = vector.extract_strided_slice %broadcast_in_dim3A_16 {offsets = [0, 1536], sizes = [1, 128], strides = [1, 1]} : vector<1x8192xf32> to vector<1x128xf32>
    %add3A_156 = vector.broadcast %slice3A_155 : vector<1x128xf32> to vector<1024x128xf32>
    %add3A_157 = arith.addf %sub3A_154, %add3A_156 : vector<1024x128xf32>
    %lt3A_158 = arith.cmpf olt, %add3A_157, %select_n3A_148 : vector<1024x128xf32>
    %select_n3A_159 = arith.select %lt3A_158, %add3A_157, %select_n3A_148 : vector<1024x128xi1>, vector<1024x128xf32>
    %jit3A_160 = arith.constant 1.200000e+01 : f32
    %broadcast_in_dim3A_161 = vector.broadcast %jit3A_160 : f32 to vector<1024x128xf32>
    %select_n3A_162 = arith.select %lt3A_158, %broadcast_in_dim3A_161, %select_n3A_151 : vector<1024x128xi1>, vector<1024x128xf32>
    %slice3A_163 = vector.extract_strided_slice %dot_general3A_12 {offsets = [0, 1664], sizes = [1024, 128], strides = [1, 1]} : vector<1024x8192xf32> to vector<1024x128xf32>
    %sub3A_164 = vector.broadcast %broadcast_in_dim3A : vector<1024x1xf32> to vector<1024x128xf32>
    %sub3A_165 = arith.subf %sub3A_164, %slice3A_163 : vector<1024x128xf32>
    %slice3A_166 = vector.extract_strided_slice %broadcast_in_dim3A_16 {offsets = [0, 1664], sizes = [1, 128], strides = [1, 1]} : vector<1x8192xf32> to vector<1x128xf32>
    %add3A_167 = vector.broadcast %slice3A_166 : vector<1x128xf32> to vector<1024x128xf32>
    %add3A_168 = arith.addf %sub3A_165, %add3A_167 : vector<1024x128xf32>
    %lt3A_169 = arith.cmpf olt, %add3A_168, %select_n3A_159 : vector<1024x128xf32>
    %select_n3A_170 = arith.select %lt3A_169, %add3A_168, %select_n3A_159 : vector<1024x128xi1>, vector<1024x128xf32>
    %jit3A_171 = arith.constant 1.300000e+01 : f32
    %broadcast_in_dim3A_172 = vector.broadcast %jit3A_171 : f32 to vector<1024x128xf32>
    %select_n3A_173 = arith.select %lt3A_169, %broadcast_in_dim3A_172, %select_n3A_162 : vector<1024x128xi1>, vector<1024x128xf32>
    %slice3A_174 = vector.extract_strided_slice %dot_general3A_12 {offsets = [0, 1792], sizes = [1024, 128], strides = [1, 1]} : vector<1024x8192xf32> to vector<1024x128xf32>
    %sub3A_175 = vector.broadcast %broadcast_in_dim3A : vector<1024x1xf32> to vector<1024x128xf32>
    %sub3A_176 = arith.subf %sub3A_175, %slice3A_174 : vector<1024x128xf32>
    %slice3A_177 = vector.extract_strided_slice %broadcast_in_dim3A_16 {offsets = [0, 1792], sizes = [1, 128], strides = [1, 1]} : vector<1x8192xf32> to vector<1x128xf32>
    %add3A_178 = vector.broadcast %slice3A_177 : vector<1x128xf32> to vector<1024x128xf32>
    %add3A_179 = arith.addf %sub3A_176, %add3A_178 : vector<1024x128xf32>
    %lt3A_180 = arith.cmpf olt, %add3A_179, %select_n3A_170 : vector<1024x128xf32>
    %select_n3A_181 = arith.select %lt3A_180, %add3A_179, %select_n3A_170 : vector<1024x128xi1>, vector<1024x128xf32>
    %jit3A_182 = arith.constant 1.400000e+01 : f32
    %broadcast_in_dim3A_183 = vector.broadcast %jit3A_182 : f32 to vector<1024x128xf32>
    %select_n3A_184 = arith.select %lt3A_180, %broadcast_in_dim3A_183, %select_n3A_173 : vector<1024x128xi1>, vector<1024x128xf32>
    %slice3A_185 = vector.extract_strided_slice %dot_general3A_12 {offsets = [0, 1920], sizes = [1024, 128], strides = [1, 1]} : vector<1024x8192xf32> to vector<1024x128xf32>
    %sub3A_186 = vector.broadcast %broadcast_in_dim3A : vector<1024x1xf32> to vector<1024x128xf32>
    %sub3A_187 = arith.subf %sub3A_186, %slice3A_185 : vector<1024x128xf32>
    %slice3A_188 = vector.extract_strided_slice %broadcast_in_dim3A_16 {offsets = [0, 1920], sizes = [1, 128], strides = [1, 1]} : vector<1x8192xf32> to vector<1x128xf32>
    %add3A_189 = vector.broadcast %slice3A_188 : vector<1x128xf32> to vector<1024x128xf32>
    %add3A_190 = arith.addf %sub3A_187, %add3A_189 : vector<1024x128xf32>
    %lt3A_191 = arith.cmpf olt, %add3A_190, %select_n3A_181 : vector<1024x128xf32>
    %select_n3A_192 = arith.select %lt3A_191, %add3A_190, %select_n3A_181 : vector<1024x128xi1>, vector<1024x128xf32>
    %jit3A_193 = arith.constant 1.500000e+01 : f32
    %broadcast_in_dim3A_194 = vector.broadcast %jit3A_193 : f32 to vector<1024x128xf32>
    %select_n3A_195 = arith.select %lt3A_191, %broadcast_in_dim3A_194, %select_n3A_184 : vector<1024x128xi1>, vector<1024x128xf32>
    %reduce_min3A = arith.constant dense<0x7F800000> : vector<1024xf32>
    %reduce_min3A_196 = vector.multi_reduction <minimumf>, %select_n3A_192, %reduce_min3A [1] : vector<1024x128xf32> to vector<1024xf32>
    %mul3A_197 = arith.constant 1.280000e+02 : f32
    %mul3A_198 = vector.broadcast %mul3A_197 : f32 to vector<1024x128xf32>
    %mul3A_199 = arith.mulf %select_n3A_195, %mul3A_198 : vector<1024x128xf32>
    %add3A_200 = arith.addf %mul3A_199, %convert_element_type3A_17 : vector<1024x128xf32>
    %broadcast_in_dim3A_201 = vector.shape_cast %reduce_min3A_196 : vector<1024xf32> to vector<1024x1xf32>
    %eq3A = vector.broadcast %broadcast_in_dim3A_201 : vector<1024x1xf32> to vector<1024x128xf32>
    %eq3A_202 = arith.cmpf oeq, %select_n3A_192, %eq3A : vector<1024x128xf32>
    %jit3A_203 = arith.constant 8.192000e+03 : f32
    %broadcast_in_dim3A_204 = vector.broadcast %jit3A_203 : f32 to vector<1024x128xf32>
    %select_n3A_205 = arith.select %eq3A_202, %add3A_200, %broadcast_in_dim3A_204 : vector<1024x128xi1>, vector<1024x128xf32>
    %reduce_min3A_206 = arith.constant dense<0x7F800000> : vector<1024xf32>
    %reduce_min3A_207 = vector.multi_reduction <minimumf>, %select_n3A_205, %reduce_min3A_206 [1] : vector<1024x128xf32> to vector<1024xf32>
    %lt3A_208 = arith.cmpf olt, %reduce_min3A_196, %broadcast_in_dim3A_19 : vector<1024xf32>
    %add3A_209 = arith.constant 0.000000e+00 : f32
    %add3A_210 = vector.broadcast %add3A_209 : f32 to vector<1024xf32>
    %add3A_211 = arith.addf %reduce_min3A_207, %add3A_210 : vector<1024xf32>
    %select_n3A_212 = arith.select %lt3A_208, %add3A_211, %broadcast_in_dim3A_21 : vector<1024xi1>, vector<1024xf32>
    %convert_element_type3A_213 = arith.truncf %reduce_min3A_196 : vector<1024xf32> to vector<1024xbf16>
    %convert_element_type3A_214 = arith.extf %convert_element_type3A_213 : vector<1024xbf16> to vector<1024xf32>
    %select_n3A_215 = arith.select %lt3A_208, %convert_element_type3A_214, %broadcast_in_dim3A_19 : vector<1024xi1>, vector<1024xf32>
    %broadcast_in_dim3A_216 = arith.constant 0x7F800000 : f32
    %broadcast_in_dim3A_217 = vector.broadcast %broadcast_in_dim3A_216 : f32 to vector<1024x128xf32>
    %broadcast_in_dim3A_218 = arith.constant 0.000000e+00 : f32
    %broadcast_in_dim3A_219 = vector.broadcast %broadcast_in_dim3A_218 : f32 to vector<1024x128xf32>
    %slice3A_220 = vector.extract_strided_slice %dot_general3A_12 {offsets = [0, 2048], sizes = [1024, 128], strides = [1, 1]} : vector<1024x8192xf32> to vector<1024x128xf32>
    %sub3A_221 = vector.broadcast %broadcast_in_dim3A : vector<1024x1xf32> to vector<1024x128xf32>
    %sub3A_222 = arith.subf %sub3A_221, %slice3A_220 : vector<1024x128xf32>
    %slice3A_223 = vector.extract_strided_slice %broadcast_in_dim3A_16 {offsets = [0, 2048], sizes = [1, 128], strides = [1, 1]} : vector<1x8192xf32> to vector<1x128xf32>
    %add3A_224 = vector.broadcast %slice3A_223 : vector<1x128xf32> to vector<1024x128xf32>
    %add3A_225 = arith.addf %sub3A_222, %add3A_224 : vector<1024x128xf32>
    %lt3A_226 = arith.cmpf olt, %add3A_225, %broadcast_in_dim3A_217 : vector<1024x128xf32>
    %select_n3A_227 = arith.select %lt3A_226, %add3A_225, %broadcast_in_dim3A_217 : vector<1024x128xi1>, vector<1024x128xf32>
    %jit3A_228 = arith.constant 0.000000e+00 : f32
    %broadcast_in_dim3A_229 = vector.broadcast %jit3A_228 : f32 to vector<1024x128xf32>
    %select_n3A_230 = arith.select %lt3A_226, %broadcast_in_dim3A_229, %broadcast_in_dim3A_219 : vector<1024x128xi1>, vector<1024x128xf32>
    %slice3A_231 = vector.extract_strided_slice %dot_general3A_12 {offsets = [0, 2176], sizes = [1024, 128], strides = [1, 1]} : vector<1024x8192xf32> to vector<1024x128xf32>
    %sub3A_232 = vector.broadcast %broadcast_in_dim3A : vector<1024x1xf32> to vector<1024x128xf32>
    %sub3A_233 = arith.subf %sub3A_232, %slice3A_231 : vector<1024x128xf32>
    %slice3A_234 = vector.extract_strided_slice %broadcast_in_dim3A_16 {offsets = [0, 2176], sizes = [1, 128], strides = [1, 1]} : vector<1x8192xf32> to vector<1x128xf32>
    %add3A_235 = vector.broadcast %slice3A_234 : vector<1x128xf32> to vector<1024x128xf32>
    %add3A_236 = arith.addf %sub3A_233, %add3A_235 : vector<1024x128xf32>
    %lt3A_237 = arith.cmpf olt, %add3A_236, %select_n3A_227 : vector<1024x128xf32>
    %select_n3A_238 = arith.select %lt3A_237, %add3A_236, %select_n3A_227 : vector<1024x128xi1>, vector<1024x128xf32>
    %jit3A_239 = arith.constant 1.000000e+00 : f32
    %broadcast_in_dim3A_240 = vector.broadcast %jit3A_239 : f32 to vector<1024x128xf32>
    %select_n3A_241 = arith.select %lt3A_237, %broadcast_in_dim3A_240, %select_n3A_230 : vector<1024x128xi1>, vector<1024x128xf32>
    %slice3A_242 = vector.extract_strided_slice %dot_general3A_12 {offsets = [0, 2304], sizes = [1024, 128], strides = [1, 1]} : vector<1024x8192xf32> to vector<1024x128xf32>
    %sub3A_243 = vector.broadcast %broadcast_in_dim3A : vector<1024x1xf32> to vector<1024x128xf32>
    %sub3A_244 = arith.subf %sub3A_243, %slice3A_242 : vector<1024x128xf32>
    %slice3A_245 = vector.extract_strided_slice %broadcast_in_dim3A_16 {offsets = [0, 2304], sizes = [1, 128], strides = [1, 1]} : vector<1x8192xf32> to vector<1x128xf32>
    %add3A_246 = vector.broadcast %slice3A_245 : vector<1x128xf32> to vector<1024x128xf32>
    %add3A_247 = arith.addf %sub3A_244, %add3A_246 : vector<1024x128xf32>
    %lt3A_248 = arith.cmpf olt, %add3A_247, %select_n3A_238 : vector<1024x128xf32>
    %select_n3A_249 = arith.select %lt3A_248, %add3A_247, %select_n3A_238 : vector<1024x128xi1>, vector<1024x128xf32>
    %jit3A_250 = arith.constant 2.000000e+00 : f32
    %broadcast_in_dim3A_251 = vector.broadcast %jit3A_250 : f32 to vector<1024x128xf32>
    %select_n3A_252 = arith.select %lt3A_248, %broadcast_in_dim3A_251, %select_n3A_241 : vector<1024x128xi1>, vector<1024x128xf32>
    %slice3A_253 = vector.extract_strided_slice %dot_general3A_12 {offsets = [0, 2432], sizes = [1024, 128], strides = [1, 1]} : vector<1024x8192xf32> to vector<1024x128xf32>
    %sub3A_254 = vector.broadcast %broadcast_in_dim3A : vector<1024x1xf32> to vector<1024x128xf32>
    %sub3A_255 = arith.subf %sub3A_254, %slice3A_253 : vector<1024x128xf32>
    %slice3A_256 = vector.extract_strided_slice %broadcast_in_dim3A_16 {offsets = [0, 2432], sizes = [1, 128], strides = [1, 1]} : vector<1x8192xf32> to vector<1x128xf32>
    %add3A_257 = vector.broadcast %slice3A_256 : vector<1x128xf32> to vector<1024x128xf32>
    %add3A_258 = arith.addf %sub3A_255, %add3A_257 : vector<1024x128xf32>
    %lt3A_259 = arith.cmpf olt, %add3A_258, %select_n3A_249 : vector<1024x128xf32>
    %select_n3A_260 = arith.select %lt3A_259, %add3A_258, %select_n3A_249 : vector<1024x128xi1>, vector<1024x128xf32>
    %jit3A_261 = arith.constant 3.000000e+00 : f32
    %broadcast_in_dim3A_262 = vector.broadcast %jit3A_261 : f32 to vector<1024x128xf32>
    %select_n3A_263 = arith.select %lt3A_259, %broadcast_in_dim3A_262, %select_n3A_252 : vector<1024x128xi1>, vector<1024x128xf32>
    %slice3A_264 = vector.extract_strided_slice %dot_general3A_12 {offsets = [0, 2560], sizes = [1024, 128], strides = [1, 1]} : vector<1024x8192xf32> to vector<1024x128xf32>
    %sub3A_265 = vector.broadcast %broadcast_in_dim3A : vector<1024x1xf32> to vector<1024x128xf32>
    %sub3A_266 = arith.subf %sub3A_265, %slice3A_264 : vector<1024x128xf32>
    %slice3A_267 = vector.extract_strided_slice %broadcast_in_dim3A_16 {offsets = [0, 2560], sizes = [1, 128], strides = [1, 1]} : vector<1x8192xf32> to vector<1x128xf32>
    %add3A_268 = vector.broadcast %slice3A_267 : vector<1x128xf32> to vector<1024x128xf32>
    %add3A_269 = arith.addf %sub3A_266, %add3A_268 : vector<1024x128xf32>
    %lt3A_270 = arith.cmpf olt, %add3A_269, %select_n3A_260 : vector<1024x128xf32>
    %select_n3A_271 = arith.select %lt3A_270, %add3A_269, %select_n3A_260 : vector<1024x128xi1>, vector<1024x128xf32>
    %jit3A_272 = arith.constant 4.000000e+00 : f32
    %broadcast_in_dim3A_273 = vector.broadcast %jit3A_272 : f32 to vector<1024x128xf32>
    %select_n3A_274 = arith.select %lt3A_270, %broadcast_in_dim3A_273, %select_n3A_263 : vector<1024x128xi1>, vector<1024x128xf32>
    %slice3A_275 = vector.extract_strided_slice %dot_general3A_12 {offsets = [0, 2688], sizes = [1024, 128], strides = [1, 1]} : vector<1024x8192xf32> to vector<1024x128xf32>
    %sub3A_276 = vector.broadcast %broadcast_in_dim3A : vector<1024x1xf32> to vector<1024x128xf32>
    %sub3A_277 = arith.subf %sub3A_276, %slice3A_275 : vector<1024x128xf32>
    %slice3A_278 = vector.extract_strided_slice %broadcast_in_dim3A_16 {offsets = [0, 2688], sizes = [1, 128], strides = [1, 1]} : vector<1x8192xf32> to vector<1x128xf32>
    %add3A_279 = vector.broadcast %slice3A_278 : vector<1x128xf32> to vector<1024x128xf32>
    %add3A_280 = arith.addf %sub3A_277, %add3A_279 : vector<1024x128xf32>
    %lt3A_281 = arith.cmpf olt, %add3A_280, %select_n3A_271 : vector<1024x128xf32>
    %select_n3A_282 = arith.select %lt3A_281, %add3A_280, %select_n3A_271 : vector<1024x128xi1>, vector<1024x128xf32>
    %jit3A_283 = arith.constant 5.000000e+00 : f32
    %broadcast_in_dim3A_284 = vector.broadcast %jit3A_283 : f32 to vector<1024x128xf32>
    %select_n3A_285 = arith.select %lt3A_281, %broadcast_in_dim3A_284, %select_n3A_274 : vector<1024x128xi1>, vector<1024x128xf32>
    %slice3A_286 = vector.extract_strided_slice %dot_general3A_12 {offsets = [0, 2816], sizes = [1024, 128], strides = [1, 1]} : vector<1024x8192xf32> to vector<1024x128xf32>
    %sub3A_287 = vector.broadcast %broadcast_in_dim3A : vector<1024x1xf32> to vector<1024x128xf32>
    %sub3A_288 = arith.subf %sub3A_287, %slice3A_286 : vector<1024x128xf32>
    %slice3A_289 = vector.extract_strided_slice %broadcast_in_dim3A_16 {offsets = [0, 2816], sizes = [1, 128], strides = [1, 1]} : vector<1x8192xf32> to vector<1x128xf32>
    %add3A_290 = vector.broadcast %slice3A_289 : vector<1x128xf32> to vector<1024x128xf32>
    %add3A_291 = arith.addf %sub3A_288, %add3A_290 : vector<1024x128xf32>
    %lt3A_292 = arith.cmpf olt, %add3A_291, %select_n3A_282 : vector<1024x128xf32>
    %select_n3A_293 = arith.select %lt3A_292, %add3A_291, %select_n3A_282 : vector<1024x128xi1>, vector<1024x128xf32>
    %jit3A_294 = arith.constant 6.000000e+00 : f32
    %broadcast_in_dim3A_295 = vector.broadcast %jit3A_294 : f32 to vector<1024x128xf32>
    %select_n3A_296 = arith.select %lt3A_292, %broadcast_in_dim3A_295, %select_n3A_285 : vector<1024x128xi1>, vector<1024x128xf32>
    %slice3A_297 = vector.extract_strided_slice %dot_general3A_12 {offsets = [0, 2944], sizes = [1024, 128], strides = [1, 1]} : vector<1024x8192xf32> to vector<1024x128xf32>
    %sub3A_298 = vector.broadcast %broadcast_in_dim3A : vector<1024x1xf32> to vector<1024x128xf32>
    %sub3A_299 = arith.subf %sub3A_298, %slice3A_297 : vector<1024x128xf32>
    %slice3A_300 = vector.extract_strided_slice %broadcast_in_dim3A_16 {offsets = [0, 2944], sizes = [1, 128], strides = [1, 1]} : vector<1x8192xf32> to vector<1x128xf32>
    %add3A_301 = vector.broadcast %slice3A_300 : vector<1x128xf32> to vector<1024x128xf32>
    %add3A_302 = arith.addf %sub3A_299, %add3A_301 : vector<1024x128xf32>
    %lt3A_303 = arith.cmpf olt, %add3A_302, %select_n3A_293 : vector<1024x128xf32>
    %select_n3A_304 = arith.select %lt3A_303, %add3A_302, %select_n3A_293 : vector<1024x128xi1>, vector<1024x128xf32>
    %jit3A_305 = arith.constant 7.000000e+00 : f32
    %broadcast_in_dim3A_306 = vector.broadcast %jit3A_305 : f32 to vector<1024x128xf32>
    %select_n3A_307 = arith.select %lt3A_303, %broadcast_in_dim3A_306, %select_n3A_296 : vector<1024x128xi1>, vector<1024x128xf32>
    %slice3A_308 = vector.extract_strided_slice %dot_general3A_12 {offsets = [0, 3072], sizes = [1024, 128], strides = [1, 1]} : vector<1024x8192xf32> to vector<1024x128xf32>
    %sub3A_309 = vector.broadcast %broadcast_in_dim3A : vector<1024x1xf32> to vector<1024x128xf32>
    %sub3A_310 = arith.subf %sub3A_309, %slice3A_308 : vector<1024x128xf32>
    %slice3A_311 = vector.extract_strided_slice %broadcast_in_dim3A_16 {offsets = [0, 3072], sizes = [1, 128], strides = [1, 1]} : vector<1x8192xf32> to vector<1x128xf32>
    %add3A_312 = vector.broadcast %slice3A_311 : vector<1x128xf32> to vector<1024x128xf32>
    %add3A_313 = arith.addf %sub3A_310, %add3A_312 : vector<1024x128xf32>
    %lt3A_314 = arith.cmpf olt, %add3A_313, %select_n3A_304 : vector<1024x128xf32>
    %select_n3A_315 = arith.select %lt3A_314, %add3A_313, %select_n3A_304 : vector<1024x128xi1>, vector<1024x128xf32>
    %jit3A_316 = arith.constant 8.000000e+00 : f32
    %broadcast_in_dim3A_317 = vector.broadcast %jit3A_316 : f32 to vector<1024x128xf32>
    %select_n3A_318 = arith.select %lt3A_314, %broadcast_in_dim3A_317, %select_n3A_307 : vector<1024x128xi1>, vector<1024x128xf32>
    %slice3A_319 = vector.extract_strided_slice %dot_general3A_12 {offsets = [0, 3200], sizes = [1024, 128], strides = [1, 1]} : vector<1024x8192xf32> to vector<1024x128xf32>
    %sub3A_320 = vector.broadcast %broadcast_in_dim3A : vector<1024x1xf32> to vector<1024x128xf32>
    %sub3A_321 = arith.subf %sub3A_320, %slice3A_319 : vector<1024x128xf32>
    %slice3A_322 = vector.extract_strided_slice %broadcast_in_dim3A_16 {offsets = [0, 3200], sizes = [1, 128], strides = [1, 1]} : vector<1x8192xf32> to vector<1x128xf32>
    %add3A_323 = vector.broadcast %slice3A_322 : vector<1x128xf32> to vector<1024x128xf32>
    %add3A_324 = arith.addf %sub3A_321, %add3A_323 : vector<1024x128xf32>
    %lt3A_325 = arith.cmpf olt, %add3A_324, %select_n3A_315 : vector<1024x128xf32>
    %select_n3A_326 = arith.select %lt3A_325, %add3A_324, %select_n3A_315 : vector<1024x128xi1>, vector<1024x128xf32>
    %jit3A_327 = arith.constant 9.000000e+00 : f32
    %broadcast_in_dim3A_328 = vector.broadcast %jit3A_327 : f32 to vector<1024x128xf32>
    %select_n3A_329 = arith.select %lt3A_325, %broadcast_in_dim3A_328, %select_n3A_318 : vector<1024x128xi1>, vector<1024x128xf32>
    %slice3A_330 = vector.extract_strided_slice %dot_general3A_12 {offsets = [0, 3328], sizes = [1024, 128], strides = [1, 1]} : vector<1024x8192xf32> to vector<1024x128xf32>
    %sub3A_331 = vector.broadcast %broadcast_in_dim3A : vector<1024x1xf32> to vector<1024x128xf32>
    %sub3A_332 = arith.subf %sub3A_331, %slice3A_330 : vector<1024x128xf32>
    %slice3A_333 = vector.extract_strided_slice %broadcast_in_dim3A_16 {offsets = [0, 3328], sizes = [1, 128], strides = [1, 1]} : vector<1x8192xf32> to vector<1x128xf32>
    %add3A_334 = vector.broadcast %slice3A_333 : vector<1x128xf32> to vector<1024x128xf32>
    %add3A_335 = arith.addf %sub3A_332, %add3A_334 : vector<1024x128xf32>
    %lt3A_336 = arith.cmpf olt, %add3A_335, %select_n3A_326 : vector<1024x128xf32>
    %select_n3A_337 = arith.select %lt3A_336, %add3A_335, %select_n3A_326 : vector<1024x128xi1>, vector<1024x128xf32>
    %jit3A_338 = arith.constant 1.000000e+01 : f32
    %broadcast_in_dim3A_339 = vector.broadcast %jit3A_338 : f32 to vector<1024x128xf32>
    %select_n3A_340 = arith.select %lt3A_336, %broadcast_in_dim3A_339, %select_n3A_329 : vector<1024x128xi1>, vector<1024x128xf32>
    %slice3A_341 = vector.extract_strided_slice %dot_general3A_12 {offsets = [0, 3456], sizes = [1024, 128], strides = [1, 1]} : vector<1024x8192xf32> to vector<1024x128xf32>
    %sub3A_342 = vector.broadcast %broadcast_in_dim3A : vector<1024x1xf32> to vector<1024x128xf32>
    %sub3A_343 = arith.subf %sub3A_342, %slice3A_341 : vector<1024x128xf32>
    %slice3A_344 = vector.extract_strided_slice %broadcast_in_dim3A_16 {offsets = [0, 3456], sizes = [1, 128], strides = [1, 1]} : vector<1x8192xf32> to vector<1x128xf32>
    %add3A_345 = vector.broadcast %slice3A_344 : vector<1x128xf32> to vector<1024x128xf32>
    %add3A_346 = arith.addf %sub3A_343, %add3A_345 : vector<1024x128xf32>
    %lt3A_347 = arith.cmpf olt, %add3A_346, %select_n3A_337 : vector<1024x128xf32>
    %select_n3A_348 = arith.select %lt3A_347, %add3A_346, %select_n3A_337 : vector<1024x128xi1>, vector<1024x128xf32>
    %jit3A_349 = arith.constant 1.100000e+01 : f32
    %broadcast_in_dim3A_350 = vector.broadcast %jit3A_349 : f32 to vector<1024x128xf32>
    %select_n3A_351 = arith.select %lt3A_347, %broadcast_in_dim3A_350, %select_n3A_340 : vector<1024x128xi1>, vector<1024x128xf32>
    %slice3A_352 = vector.extract_strided_slice %dot_general3A_12 {offsets = [0, 3584], sizes = [1024, 128], strides = [1, 1]} : vector<1024x8192xf32> to vector<1024x128xf32>
    %sub3A_353 = vector.broadcast %broadcast_in_dim3A : vector<1024x1xf32> to vector<1024x128xf32>
    %sub3A_354 = arith.subf %sub3A_353, %slice3A_352 : vector<1024x128xf32>
    %slice3A_355 = vector.extract_strided_slice %broadcast_in_dim3A_16 {offsets = [0, 3584], sizes = [1, 128], strides = [1, 1]} : vector<1x8192xf32> to vector<1x128xf32>
    %add3A_356 = vector.broadcast %slice3A_355 : vector<1x128xf32> to vector<1024x128xf32>
    %add3A_357 = arith.addf %sub3A_354, %add3A_356 : vector<1024x128xf32>
    %lt3A_358 = arith.cmpf olt, %add3A_357, %select_n3A_348 : vector<1024x128xf32>
    %select_n3A_359 = arith.select %lt3A_358, %add3A_357, %select_n3A_348 : vector<1024x128xi1>, vector<1024x128xf32>
    %jit3A_360 = arith.constant 1.200000e+01 : f32
    %broadcast_in_dim3A_361 = vector.broadcast %jit3A_360 : f32 to vector<1024x128xf32>
    %select_n3A_362 = arith.select %lt3A_358, %broadcast_in_dim3A_361, %select_n3A_351 : vector<1024x128xi1>, vector<1024x128xf32>
    %slice3A_363 = vector.extract_strided_slice %dot_general3A_12 {offsets = [0, 3712], sizes = [1024, 128], strides = [1, 1]} : vector<1024x8192xf32> to vector<1024x128xf32>
    %sub3A_364 = vector.broadcast %broadcast_in_dim3A : vector<1024x1xf32> to vector<1024x128xf32>
    %sub3A_365 = arith.subf %sub3A_364, %slice3A_363 : vector<1024x128xf32>
    %slice3A_366 = vector.extract_strided_slice %broadcast_in_dim3A_16 {offsets = [0, 3712], sizes = [1, 128], strides = [1, 1]} : vector<1x8192xf32> to vector<1x128xf32>
    %add3A_367 = vector.broadcast %slice3A_366 : vector<1x128xf32> to vector<1024x128xf32>
    %add3A_368 = arith.addf %sub3A_365, %add3A_367 : vector<1024x128xf32>
    %lt3A_369 = arith.cmpf olt, %add3A_368, %select_n3A_359 : vector<1024x128xf32>
    %select_n3A_370 = arith.select %lt3A_369, %add3A_368, %select_n3A_359 : vector<1024x128xi1>, vector<1024x128xf32>
    %jit3A_371 = arith.constant 1.300000e+01 : f32
    %broadcast_in_dim3A_372 = vector.broadcast %jit3A_371 : f32 to vector<1024x128xf32>
    %select_n3A_373 = arith.select %lt3A_369, %broadcast_in_dim3A_372, %select_n3A_362 : vector<1024x128xi1>, vector<1024x128xf32>
    %slice3A_374 = vector.extract_strided_slice %dot_general3A_12 {offsets = [0, 3840], sizes = [1024, 128], strides = [1, 1]} : vector<1024x8192xf32> to vector<1024x128xf32>
    %sub3A_375 = vector.broadcast %broadcast_in_dim3A : vector<1024x1xf32> to vector<1024x128xf32>
    %sub3A_376 = arith.subf %sub3A_375, %slice3A_374 : vector<1024x128xf32>
    %slice3A_377 = vector.extract_strided_slice %broadcast_in_dim3A_16 {offsets = [0, 3840], sizes = [1, 128], strides = [1, 1]} : vector<1x8192xf32> to vector<1x128xf32>
    %add3A_378 = vector.broadcast %slice3A_377 : vector<1x128xf32> to vector<1024x128xf32>
    %add3A_379 = arith.addf %sub3A_376, %add3A_378 : vector<1024x128xf32>
    %lt3A_380 = arith.cmpf olt, %add3A_379, %select_n3A_370 : vector<1024x128xf32>
    %select_n3A_381 = arith.select %lt3A_380, %add3A_379, %select_n3A_370 : vector<1024x128xi1>, vector<1024x128xf32>
    %jit3A_382 = arith.constant 1.400000e+01 : f32
    %broadcast_in_dim3A_383 = vector.broadcast %jit3A_382 : f32 to vector<1024x128xf32>
    %select_n3A_384 = arith.select %lt3A_380, %broadcast_in_dim3A_383, %select_n3A_373 : vector<1024x128xi1>, vector<1024x128xf32>
    %slice3A_385 = vector.extract_strided_slice %dot_general3A_12 {offsets = [0, 3968], sizes = [1024, 128], strides = [1, 1]} : vector<1024x8192xf32> to vector<1024x128xf32>
    %sub3A_386 = vector.broadcast %broadcast_in_dim3A : vector<1024x1xf32> to vector<1024x128xf32>
    %sub3A_387 = arith.subf %sub3A_386, %slice3A_385 : vector<1024x128xf32>
    %slice3A_388 = vector.extract_strided_slice %broadcast_in_dim3A_16 {offsets = [0, 3968], sizes = [1, 128], strides = [1, 1]} : vector<1x8192xf32> to vector<1x128xf32>
    %add3A_389 = vector.broadcast %slice3A_388 : vector<1x128xf32> to vector<1024x128xf32>
    %add3A_390 = arith.addf %sub3A_387, %add3A_389 : vector<1024x128xf32>
    %lt3A_391 = arith.cmpf olt, %add3A_390, %select_n3A_381 : vector<1024x128xf32>
    %select_n3A_392 = arith.select %lt3A_391, %add3A_390, %select_n3A_381 : vector<1024x128xi1>, vector<1024x128xf32>
    %jit3A_393 = arith.constant 1.500000e+01 : f32
    %broadcast_in_dim3A_394 = vector.broadcast %jit3A_393 : f32 to vector<1024x128xf32>
    %select_n3A_395 = arith.select %lt3A_391, %broadcast_in_dim3A_394, %select_n3A_384 : vector<1024x128xi1>, vector<1024x128xf32>
    %reduce_min3A_396 = arith.constant dense<0x7F800000> : vector<1024xf32>
    %reduce_min3A_397 = vector.multi_reduction <minimumf>, %select_n3A_392, %reduce_min3A_396 [1] : vector<1024x128xf32> to vector<1024xf32>
    %mul3A_398 = arith.constant 1.280000e+02 : f32
    %mul3A_399 = vector.broadcast %mul3A_398 : f32 to vector<1024x128xf32>
    %mul3A_400 = arith.mulf %select_n3A_395, %mul3A_399 : vector<1024x128xf32>
    %add3A_401 = arith.addf %mul3A_400, %convert_element_type3A_17 : vector<1024x128xf32>
    %broadcast_in_dim3A_402 = vector.shape_cast %reduce_min3A_397 : vector<1024xf32> to vector<1024x1xf32>
    %eq3A_403 = vector.broadcast %broadcast_in_dim3A_402 : vector<1024x1xf32> to vector<1024x128xf32>
    %eq3A_404 = arith.cmpf oeq, %select_n3A_392, %eq3A_403 : vector<1024x128xf32>
    %jit3A_405 = arith.constant 8.192000e+03 : f32
    %broadcast_in_dim3A_406 = vector.broadcast %jit3A_405 : f32 to vector<1024x128xf32>
    %select_n3A_407 = arith.select %eq3A_404, %add3A_401, %broadcast_in_dim3A_406 : vector<1024x128xi1>, vector<1024x128xf32>
    %reduce_min3A_408 = arith.constant dense<0x7F800000> : vector<1024xf32>
    %reduce_min3A_409 = vector.multi_reduction <minimumf>, %select_n3A_407, %reduce_min3A_408 [1] : vector<1024x128xf32> to vector<1024xf32>
    %lt3A_410 = arith.cmpf olt, %reduce_min3A_397, %select_n3A_215 : vector<1024xf32>
    %add3A_411 = arith.constant 2.048000e+03 : f32
    %add3A_412 = vector.broadcast %add3A_411 : f32 to vector<1024xf32>
    %add3A_413 = arith.addf %reduce_min3A_409, %add3A_412 : vector<1024xf32>
    %select_n3A_414 = arith.select %lt3A_410, %add3A_413, %select_n3A_212 : vector<1024xi1>, vector<1024xf32>
    %convert_element_type3A_415 = arith.truncf %reduce_min3A_397 : vector<1024xf32> to vector<1024xbf16>
    %convert_element_type3A_416 = arith.extf %convert_element_type3A_415 : vector<1024xbf16> to vector<1024xf32>
    %select_n3A_417 = arith.select %lt3A_410, %convert_element_type3A_416, %select_n3A_215 : vector<1024xi1>, vector<1024xf32>
    %broadcast_in_dim3A_418 = arith.constant 0x7F800000 : f32
    %broadcast_in_dim3A_419 = vector.broadcast %broadcast_in_dim3A_418 : f32 to vector<1024x128xf32>
    %broadcast_in_dim3A_420 = arith.constant 0.000000e+00 : f32
    %broadcast_in_dim3A_421 = vector.broadcast %broadcast_in_dim3A_420 : f32 to vector<1024x128xf32>
    %slice3A_422 = vector.extract_strided_slice %dot_general3A_12 {offsets = [0, 4096], sizes = [1024, 128], strides = [1, 1]} : vector<1024x8192xf32> to vector<1024x128xf32>
    %sub3A_423 = vector.broadcast %broadcast_in_dim3A : vector<1024x1xf32> to vector<1024x128xf32>
    %sub3A_424 = arith.subf %sub3A_423, %slice3A_422 : vector<1024x128xf32>
    %slice3A_425 = vector.extract_strided_slice %broadcast_in_dim3A_16 {offsets = [0, 4096], sizes = [1, 128], strides = [1, 1]} : vector<1x8192xf32> to vector<1x128xf32>
    %add3A_426 = vector.broadcast %slice3A_425 : vector<1x128xf32> to vector<1024x128xf32>
    %add3A_427 = arith.addf %sub3A_424, %add3A_426 : vector<1024x128xf32>
    %lt3A_428 = arith.cmpf olt, %add3A_427, %broadcast_in_dim3A_419 : vector<1024x128xf32>
    %select_n3A_429 = arith.select %lt3A_428, %add3A_427, %broadcast_in_dim3A_419 : vector<1024x128xi1>, vector<1024x128xf32>
    %jit3A_430 = arith.constant 0.000000e+00 : f32
    %broadcast_in_dim3A_431 = vector.broadcast %jit3A_430 : f32 to vector<1024x128xf32>
    %select_n3A_432 = arith.select %lt3A_428, %broadcast_in_dim3A_431, %broadcast_in_dim3A_421 : vector<1024x128xi1>, vector<1024x128xf32>
    %slice3A_433 = vector.extract_strided_slice %dot_general3A_12 {offsets = [0, 4224], sizes = [1024, 128], strides = [1, 1]} : vector<1024x8192xf32> to vector<1024x128xf32>
    %sub3A_434 = vector.broadcast %broadcast_in_dim3A : vector<1024x1xf32> to vector<1024x128xf32>
    %sub3A_435 = arith.subf %sub3A_434, %slice3A_433 : vector<1024x128xf32>
    %slice3A_436 = vector.extract_strided_slice %broadcast_in_dim3A_16 {offsets = [0, 4224], sizes = [1, 128], strides = [1, 1]} : vector<1x8192xf32> to vector<1x128xf32>
    %add3A_437 = vector.broadcast %slice3A_436 : vector<1x128xf32> to vector<1024x128xf32>
    %add3A_438 = arith.addf %sub3A_435, %add3A_437 : vector<1024x128xf32>
    %lt3A_439 = arith.cmpf olt, %add3A_438, %select_n3A_429 : vector<1024x128xf32>
    %select_n3A_440 = arith.select %lt3A_439, %add3A_438, %select_n3A_429 : vector<1024x128xi1>, vector<1024x128xf32>
    %jit3A_441 = arith.constant 1.000000e+00 : f32
    %broadcast_in_dim3A_442 = vector.broadcast %jit3A_441 : f32 to vector<1024x128xf32>
    %select_n3A_443 = arith.select %lt3A_439, %broadcast_in_dim3A_442, %select_n3A_432 : vector<1024x128xi1>, vector<1024x128xf32>
    %slice3A_444 = vector.extract_strided_slice %dot_general3A_12 {offsets = [0, 4352], sizes = [1024, 128], strides = [1, 1]} : vector<1024x8192xf32> to vector<1024x128xf32>
    %sub3A_445 = vector.broadcast %broadcast_in_dim3A : vector<1024x1xf32> to vector<1024x128xf32>
    %sub3A_446 = arith.subf %sub3A_445, %slice3A_444 : vector<1024x128xf32>
    %slice3A_447 = vector.extract_strided_slice %broadcast_in_dim3A_16 {offsets = [0, 4352], sizes = [1, 128], strides = [1, 1]} : vector<1x8192xf32> to vector<1x128xf32>
    %add3A_448 = vector.broadcast %slice3A_447 : vector<1x128xf32> to vector<1024x128xf32>
    %add3A_449 = arith.addf %sub3A_446, %add3A_448 : vector<1024x128xf32>
    %lt3A_450 = arith.cmpf olt, %add3A_449, %select_n3A_440 : vector<1024x128xf32>
    %select_n3A_451 = arith.select %lt3A_450, %add3A_449, %select_n3A_440 : vector<1024x128xi1>, vector<1024x128xf32>
    %jit3A_452 = arith.constant 2.000000e+00 : f32
    %broadcast_in_dim3A_453 = vector.broadcast %jit3A_452 : f32 to vector<1024x128xf32>
    %select_n3A_454 = arith.select %lt3A_450, %broadcast_in_dim3A_453, %select_n3A_443 : vector<1024x128xi1>, vector<1024x128xf32>
    %slice3A_455 = vector.extract_strided_slice %dot_general3A_12 {offsets = [0, 4480], sizes = [1024, 128], strides = [1, 1]} : vector<1024x8192xf32> to vector<1024x128xf32>
    %sub3A_456 = vector.broadcast %broadcast_in_dim3A : vector<1024x1xf32> to vector<1024x128xf32>
    %sub3A_457 = arith.subf %sub3A_456, %slice3A_455 : vector<1024x128xf32>
    %slice3A_458 = vector.extract_strided_slice %broadcast_in_dim3A_16 {offsets = [0, 4480], sizes = [1, 128], strides = [1, 1]} : vector<1x8192xf32> to vector<1x128xf32>
    %add3A_459 = vector.broadcast %slice3A_458 : vector<1x128xf32> to vector<1024x128xf32>
    %add3A_460 = arith.addf %sub3A_457, %add3A_459 : vector<1024x128xf32>
    %lt3A_461 = arith.cmpf olt, %add3A_460, %select_n3A_451 : vector<1024x128xf32>
    %select_n3A_462 = arith.select %lt3A_461, %add3A_460, %select_n3A_451 : vector<1024x128xi1>, vector<1024x128xf32>
    %jit3A_463 = arith.constant 3.000000e+00 : f32
    %broadcast_in_dim3A_464 = vector.broadcast %jit3A_463 : f32 to vector<1024x128xf32>
    %select_n3A_465 = arith.select %lt3A_461, %broadcast_in_dim3A_464, %select_n3A_454 : vector<1024x128xi1>, vector<1024x128xf32>
    %slice3A_466 = vector.extract_strided_slice %dot_general3A_12 {offsets = [0, 4608], sizes = [1024, 128], strides = [1, 1]} : vector<1024x8192xf32> to vector<1024x128xf32>
    %sub3A_467 = vector.broadcast %broadcast_in_dim3A : vector<1024x1xf32> to vector<1024x128xf32>
    %sub3A_468 = arith.subf %sub3A_467, %slice3A_466 : vector<1024x128xf32>
    %slice3A_469 = vector.extract_strided_slice %broadcast_in_dim3A_16 {offsets = [0, 4608], sizes = [1, 128], strides = [1, 1]} : vector<1x8192xf32> to vector<1x128xf32>
    %add3A_470 = vector.broadcast %slice3A_469 : vector<1x128xf32> to vector<1024x128xf32>
    %add3A_471 = arith.addf %sub3A_468, %add3A_470 : vector<1024x128xf32>
    %lt3A_472 = arith.cmpf olt, %add3A_471, %select_n3A_462 : vector<1024x128xf32>
    %select_n3A_473 = arith.select %lt3A_472, %add3A_471, %select_n3A_462 : vector<1024x128xi1>, vector<1024x128xf32>
    %jit3A_474 = arith.constant 4.000000e+00 : f32
    %broadcast_in_dim3A_475 = vector.broadcast %jit3A_474 : f32 to vector<1024x128xf32>
    %select_n3A_476 = arith.select %lt3A_472, %broadcast_in_dim3A_475, %select_n3A_465 : vector<1024x128xi1>, vector<1024x128xf32>
    %slice3A_477 = vector.extract_strided_slice %dot_general3A_12 {offsets = [0, 4736], sizes = [1024, 128], strides = [1, 1]} : vector<1024x8192xf32> to vector<1024x128xf32>
    %sub3A_478 = vector.broadcast %broadcast_in_dim3A : vector<1024x1xf32> to vector<1024x128xf32>
    %sub3A_479 = arith.subf %sub3A_478, %slice3A_477 : vector<1024x128xf32>
    %slice3A_480 = vector.extract_strided_slice %broadcast_in_dim3A_16 {offsets = [0, 4736], sizes = [1, 128], strides = [1, 1]} : vector<1x8192xf32> to vector<1x128xf32>
    %add3A_481 = vector.broadcast %slice3A_480 : vector<1x128xf32> to vector<1024x128xf32>
    %add3A_482 = arith.addf %sub3A_479, %add3A_481 : vector<1024x128xf32>
    %lt3A_483 = arith.cmpf olt, %add3A_482, %select_n3A_473 : vector<1024x128xf32>
    %select_n3A_484 = arith.select %lt3A_483, %add3A_482, %select_n3A_473 : vector<1024x128xi1>, vector<1024x128xf32>
    %jit3A_485 = arith.constant 5.000000e+00 : f32
    %broadcast_in_dim3A_486 = vector.broadcast %jit3A_485 : f32 to vector<1024x128xf32>
    %select_n3A_487 = arith.select %lt3A_483, %broadcast_in_dim3A_486, %select_n3A_476 : vector<1024x128xi1>, vector<1024x128xf32>
    %slice3A_488 = vector.extract_strided_slice %dot_general3A_12 {offsets = [0, 4864], sizes = [1024, 128], strides = [1, 1]} : vector<1024x8192xf32> to vector<1024x128xf32>
    %sub3A_489 = vector.broadcast %broadcast_in_dim3A : vector<1024x1xf32> to vector<1024x128xf32>
    %sub3A_490 = arith.subf %sub3A_489, %slice3A_488 : vector<1024x128xf32>
    %slice3A_491 = vector.extract_strided_slice %broadcast_in_dim3A_16 {offsets = [0, 4864], sizes = [1, 128], strides = [1, 1]} : vector<1x8192xf32> to vector<1x128xf32>
    %add3A_492 = vector.broadcast %slice3A_491 : vector<1x128xf32> to vector<1024x128xf32>
    %add3A_493 = arith.addf %sub3A_490, %add3A_492 : vector<1024x128xf32>
    %lt3A_494 = arith.cmpf olt, %add3A_493, %select_n3A_484 : vector<1024x128xf32>
    %select_n3A_495 = arith.select %lt3A_494, %add3A_493, %select_n3A_484 : vector<1024x128xi1>, vector<1024x128xf32>
    %jit3A_496 = arith.constant 6.000000e+00 : f32
    %broadcast_in_dim3A_497 = vector.broadcast %jit3A_496 : f32 to vector<1024x128xf32>
    %select_n3A_498 = arith.select %lt3A_494, %broadcast_in_dim3A_497, %select_n3A_487 : vector<1024x128xi1>, vector<1024x128xf32>
    %slice3A_499 = vector.extract_strided_slice %dot_general3A_12 {offsets = [0, 4992], sizes = [1024, 128], strides = [1, 1]} : vector<1024x8192xf32> to vector<1024x128xf32>
    %sub3A_500 = vector.broadcast %broadcast_in_dim3A : vector<1024x1xf32> to vector<1024x128xf32>
    %sub3A_501 = arith.subf %sub3A_500, %slice3A_499 : vector<1024x128xf32>
    %slice3A_502 = vector.extract_strided_slice %broadcast_in_dim3A_16 {offsets = [0, 4992], sizes = [1, 128], strides = [1, 1]} : vector<1x8192xf32> to vector<1x128xf32>
    %add3A_503 = vector.broadcast %slice3A_502 : vector<1x128xf32> to vector<1024x128xf32>
    %add3A_504 = arith.addf %sub3A_501, %add3A_503 : vector<1024x128xf32>
    %lt3A_505 = arith.cmpf olt, %add3A_504, %select_n3A_495 : vector<1024x128xf32>
    %select_n3A_506 = arith.select %lt3A_505, %add3A_504, %select_n3A_495 : vector<1024x128xi1>, vector<1024x128xf32>
    %jit3A_507 = arith.constant 7.000000e+00 : f32
    %broadcast_in_dim3A_508 = vector.broadcast %jit3A_507 : f32 to vector<1024x128xf32>
    %select_n3A_509 = arith.select %lt3A_505, %broadcast_in_dim3A_508, %select_n3A_498 : vector<1024x128xi1>, vector<1024x128xf32>
    %slice3A_510 = vector.extract_strided_slice %dot_general3A_12 {offsets = [0, 5120], sizes = [1024, 128], strides = [1, 1]} : vector<1024x8192xf32> to vector<1024x128xf32>
    %sub3A_511 = vector.broadcast %broadcast_in_dim3A : vector<1024x1xf32> to vector<1024x128xf32>
    %sub3A_512 = arith.subf %sub3A_511, %slice3A_510 : vector<1024x128xf32>
    %slice3A_513 = vector.extract_strided_slice %broadcast_in_dim3A_16 {offsets = [0, 5120], sizes = [1, 128], strides = [1, 1]} : vector<1x8192xf32> to vector<1x128xf32>
    %add3A_514 = vector.broadcast %slice3A_513 : vector<1x128xf32> to vector<1024x128xf32>
    %add3A_515 = arith.addf %sub3A_512, %add3A_514 : vector<1024x128xf32>
    %lt3A_516 = arith.cmpf olt, %add3A_515, %select_n3A_506 : vector<1024x128xf32>
    %select_n3A_517 = arith.select %lt3A_516, %add3A_515, %select_n3A_506 : vector<1024x128xi1>, vector<1024x128xf32>
    %jit3A_518 = arith.constant 8.000000e+00 : f32
    %broadcast_in_dim3A_519 = vector.broadcast %jit3A_518 : f32 to vector<1024x128xf32>
    %select_n3A_520 = arith.select %lt3A_516, %broadcast_in_dim3A_519, %select_n3A_509 : vector<1024x128xi1>, vector<1024x128xf32>
    %slice3A_521 = vector.extract_strided_slice %dot_general3A_12 {offsets = [0, 5248], sizes = [1024, 128], strides = [1, 1]} : vector<1024x8192xf32> to vector<1024x128xf32>
    %sub3A_522 = vector.broadcast %broadcast_in_dim3A : vector<1024x1xf32> to vector<1024x128xf32>
    %sub3A_523 = arith.subf %sub3A_522, %slice3A_521 : vector<1024x128xf32>
    %slice3A_524 = vector.extract_strided_slice %broadcast_in_dim3A_16 {offsets = [0, 5248], sizes = [1, 128], strides = [1, 1]} : vector<1x8192xf32> to vector<1x128xf32>
    %add3A_525 = vector.broadcast %slice3A_524 : vector<1x128xf32> to vector<1024x128xf32>
    %add3A_526 = arith.addf %sub3A_523, %add3A_525 : vector<1024x128xf32>
    %lt3A_527 = arith.cmpf olt, %add3A_526, %select_n3A_517 : vector<1024x128xf32>
    %select_n3A_528 = arith.select %lt3A_527, %add3A_526, %select_n3A_517 : vector<1024x128xi1>, vector<1024x128xf32>
    %jit3A_529 = arith.constant 9.000000e+00 : f32
    %broadcast_in_dim3A_530 = vector.broadcast %jit3A_529 : f32 to vector<1024x128xf32>
    %select_n3A_531 = arith.select %lt3A_527, %broadcast_in_dim3A_530, %select_n3A_520 : vector<1024x128xi1>, vector<1024x128xf32>
    %slice3A_532 = vector.extract_strided_slice %dot_general3A_12 {offsets = [0, 5376], sizes = [1024, 128], strides = [1, 1]} : vector<1024x8192xf32> to vector<1024x128xf32>
    %sub3A_533 = vector.broadcast %broadcast_in_dim3A : vector<1024x1xf32> to vector<1024x128xf32>
    %sub3A_534 = arith.subf %sub3A_533, %slice3A_532 : vector<1024x128xf32>
    %slice3A_535 = vector.extract_strided_slice %broadcast_in_dim3A_16 {offsets = [0, 5376], sizes = [1, 128], strides = [1, 1]} : vector<1x8192xf32> to vector<1x128xf32>
    %add3A_536 = vector.broadcast %slice3A_535 : vector<1x128xf32> to vector<1024x128xf32>
    %add3A_537 = arith.addf %sub3A_534, %add3A_536 : vector<1024x128xf32>
    %lt3A_538 = arith.cmpf olt, %add3A_537, %select_n3A_528 : vector<1024x128xf32>
    %select_n3A_539 = arith.select %lt3A_538, %add3A_537, %select_n3A_528 : vector<1024x128xi1>, vector<1024x128xf32>
    %jit3A_540 = arith.constant 1.000000e+01 : f32
    %broadcast_in_dim3A_541 = vector.broadcast %jit3A_540 : f32 to vector<1024x128xf32>
    %select_n3A_542 = arith.select %lt3A_538, %broadcast_in_dim3A_541, %select_n3A_531 : vector<1024x128xi1>, vector<1024x128xf32>
    %slice3A_543 = vector.extract_strided_slice %dot_general3A_12 {offsets = [0, 5504], sizes = [1024, 128], strides = [1, 1]} : vector<1024x8192xf32> to vector<1024x128xf32>
    %sub3A_544 = vector.broadcast %broadcast_in_dim3A : vector<1024x1xf32> to vector<1024x128xf32>
    %sub3A_545 = arith.subf %sub3A_544, %slice3A_543 : vector<1024x128xf32>
    %slice3A_546 = vector.extract_strided_slice %broadcast_in_dim3A_16 {offsets = [0, 5504], sizes = [1, 128], strides = [1, 1]} : vector<1x8192xf32> to vector<1x128xf32>
    %add3A_547 = vector.broadcast %slice3A_546 : vector<1x128xf32> to vector<1024x128xf32>
    %add3A_548 = arith.addf %sub3A_545, %add3A_547 : vector<1024x128xf32>
    %lt3A_549 = arith.cmpf olt, %add3A_548, %select_n3A_539 : vector<1024x128xf32>
    %select_n3A_550 = arith.select %lt3A_549, %add3A_548, %select_n3A_539 : vector<1024x128xi1>, vector<1024x128xf32>
    %jit3A_551 = arith.constant 1.100000e+01 : f32
    %broadcast_in_dim3A_552 = vector.broadcast %jit3A_551 : f32 to vector<1024x128xf32>
    %select_n3A_553 = arith.select %lt3A_549, %broadcast_in_dim3A_552, %select_n3A_542 : vector<1024x128xi1>, vector<1024x128xf32>
    %slice3A_554 = vector.extract_strided_slice %dot_general3A_12 {offsets = [0, 5632], sizes = [1024, 128], strides = [1, 1]} : vector<1024x8192xf32> to vector<1024x128xf32>
    %sub3A_555 = vector.broadcast %broadcast_in_dim3A : vector<1024x1xf32> to vector<1024x128xf32>
    %sub3A_556 = arith.subf %sub3A_555, %slice3A_554 : vector<1024x128xf32>
    %slice3A_557 = vector.extract_strided_slice %broadcast_in_dim3A_16 {offsets = [0, 5632], sizes = [1, 128], strides = [1, 1]} : vector<1x8192xf32> to vector<1x128xf32>
    %add3A_558 = vector.broadcast %slice3A_557 : vector<1x128xf32> to vector<1024x128xf32>
    %add3A_559 = arith.addf %sub3A_556, %add3A_558 : vector<1024x128xf32>
    %lt3A_560 = arith.cmpf olt, %add3A_559, %select_n3A_550 : vector<1024x128xf32>
    %select_n3A_561 = arith.select %lt3A_560, %add3A_559, %select_n3A_550 : vector<1024x128xi1>, vector<1024x128xf32>
    %jit3A_562 = arith.constant 1.200000e+01 : f32
    %broadcast_in_dim3A_563 = vector.broadcast %jit3A_562 : f32 to vector<1024x128xf32>
    %select_n3A_564 = arith.select %lt3A_560, %broadcast_in_dim3A_563, %select_n3A_553 : vector<1024x128xi1>, vector<1024x128xf32>
    %slice3A_565 = vector.extract_strided_slice %dot_general3A_12 {offsets = [0, 5760], sizes = [1024, 128], strides = [1, 1]} : vector<1024x8192xf32> to vector<1024x128xf32>
    %sub3A_566 = vector.broadcast %broadcast_in_dim3A : vector<1024x1xf32> to vector<1024x128xf32>
    %sub3A_567 = arith.subf %sub3A_566, %slice3A_565 : vector<1024x128xf32>
    %slice3A_568 = vector.extract_strided_slice %broadcast_in_dim3A_16 {offsets = [0, 5760], sizes = [1, 128], strides = [1, 1]} : vector<1x8192xf32> to vector<1x128xf32>
    %add3A_569 = vector.broadcast %slice3A_568 : vector<1x128xf32> to vector<1024x128xf32>
    %add3A_570 = arith.addf %sub3A_567, %add3A_569 : vector<1024x128xf32>
    %lt3A_571 = arith.cmpf olt, %add3A_570, %select_n3A_561 : vector<1024x128xf32>
    %select_n3A_572 = arith.select %lt3A_571, %add3A_570, %select_n3A_561 : vector<1024x128xi1>, vector<1024x128xf32>
    %jit3A_573 = arith.constant 1.300000e+01 : f32
    %broadcast_in_dim3A_574 = vector.broadcast %jit3A_573 : f32 to vector<1024x128xf32>
    %select_n3A_575 = arith.select %lt3A_571, %broadcast_in_dim3A_574, %select_n3A_564 : vector<1024x128xi1>, vector<1024x128xf32>
    %slice3A_576 = vector.extract_strided_slice %dot_general3A_12 {offsets = [0, 5888], sizes = [1024, 128], strides = [1, 1]} : vector<1024x8192xf32> to vector<1024x128xf32>
    %sub3A_577 = vector.broadcast %broadcast_in_dim3A : vector<1024x1xf32> to vector<1024x128xf32>
    %sub3A_578 = arith.subf %sub3A_577, %slice3A_576 : vector<1024x128xf32>
    %slice3A_579 = vector.extract_strided_slice %broadcast_in_dim3A_16 {offsets = [0, 5888], sizes = [1, 128], strides = [1, 1]} : vector<1x8192xf32> to vector<1x128xf32>
    %add3A_580 = vector.broadcast %slice3A_579 : vector<1x128xf32> to vector<1024x128xf32>
    %add3A_581 = arith.addf %sub3A_578, %add3A_580 : vector<1024x128xf32>
    %lt3A_582 = arith.cmpf olt, %add3A_581, %select_n3A_572 : vector<1024x128xf32>
    %select_n3A_583 = arith.select %lt3A_582, %add3A_581, %select_n3A_572 : vector<1024x128xi1>, vector<1024x128xf32>
    %jit3A_584 = arith.constant 1.400000e+01 : f32
    %broadcast_in_dim3A_585 = vector.broadcast %jit3A_584 : f32 to vector<1024x128xf32>
    %select_n3A_586 = arith.select %lt3A_582, %broadcast_in_dim3A_585, %select_n3A_575 : vector<1024x128xi1>, vector<1024x128xf32>
    %slice3A_587 = vector.extract_strided_slice %dot_general3A_12 {offsets = [0, 6016], sizes = [1024, 128], strides = [1, 1]} : vector<1024x8192xf32> to vector<1024x128xf32>
    %sub3A_588 = vector.broadcast %broadcast_in_dim3A : vector<1024x1xf32> to vector<1024x128xf32>
    %sub3A_589 = arith.subf %sub3A_588, %slice3A_587 : vector<1024x128xf32>
    %slice3A_590 = vector.extract_strided_slice %broadcast_in_dim3A_16 {offsets = [0, 6016], sizes = [1, 128], strides = [1, 1]} : vector<1x8192xf32> to vector<1x128xf32>
    %add3A_591 = vector.broadcast %slice3A_590 : vector<1x128xf32> to vector<1024x128xf32>
    %add3A_592 = arith.addf %sub3A_589, %add3A_591 : vector<1024x128xf32>
    %lt3A_593 = arith.cmpf olt, %add3A_592, %select_n3A_583 : vector<1024x128xf32>
    %select_n3A_594 = arith.select %lt3A_593, %add3A_592, %select_n3A_583 : vector<1024x128xi1>, vector<1024x128xf32>
    %jit3A_595 = arith.constant 1.500000e+01 : f32
    %broadcast_in_dim3A_596 = vector.broadcast %jit3A_595 : f32 to vector<1024x128xf32>
    %select_n3A_597 = arith.select %lt3A_593, %broadcast_in_dim3A_596, %select_n3A_586 : vector<1024x128xi1>, vector<1024x128xf32>
    %reduce_min3A_598 = arith.constant dense<0x7F800000> : vector<1024xf32>
    %reduce_min3A_599 = vector.multi_reduction <minimumf>, %select_n3A_594, %reduce_min3A_598 [1] : vector<1024x128xf32> to vector<1024xf32>
    %mul3A_600 = arith.constant 1.280000e+02 : f32
    %mul3A_601 = vector.broadcast %mul3A_600 : f32 to vector<1024x128xf32>
    %mul3A_602 = arith.mulf %select_n3A_597, %mul3A_601 : vector<1024x128xf32>
    %add3A_603 = arith.addf %mul3A_602, %convert_element_type3A_17 : vector<1024x128xf32>
    %broadcast_in_dim3A_604 = vector.shape_cast %reduce_min3A_599 : vector<1024xf32> to vector<1024x1xf32>
    %eq3A_605 = vector.broadcast %broadcast_in_dim3A_604 : vector<1024x1xf32> to vector<1024x128xf32>
    %eq3A_606 = arith.cmpf oeq, %select_n3A_594, %eq3A_605 : vector<1024x128xf32>
    %jit3A_607 = arith.constant 8.192000e+03 : f32
    %broadcast_in_dim3A_608 = vector.broadcast %jit3A_607 : f32 to vector<1024x128xf32>
    %select_n3A_609 = arith.select %eq3A_606, %add3A_603, %broadcast_in_dim3A_608 : vector<1024x128xi1>, vector<1024x128xf32>
    %reduce_min3A_610 = arith.constant dense<0x7F800000> : vector<1024xf32>
    %reduce_min3A_611 = vector.multi_reduction <minimumf>, %select_n3A_609, %reduce_min3A_610 [1] : vector<1024x128xf32> to vector<1024xf32>
    %lt3A_612 = arith.cmpf olt, %reduce_min3A_599, %select_n3A_417 : vector<1024xf32>
    %add3A_613 = arith.constant 4.096000e+03 : f32
    %add3A_614 = vector.broadcast %add3A_613 : f32 to vector<1024xf32>
    %add3A_615 = arith.addf %reduce_min3A_611, %add3A_614 : vector<1024xf32>
    %select_n3A_616 = arith.select %lt3A_612, %add3A_615, %select_n3A_414 : vector<1024xi1>, vector<1024xf32>
    %convert_element_type3A_617 = arith.truncf %reduce_min3A_599 : vector<1024xf32> to vector<1024xbf16>
    %convert_element_type3A_618 = arith.extf %convert_element_type3A_617 : vector<1024xbf16> to vector<1024xf32>
    %select_n3A_619 = arith.select %lt3A_612, %convert_element_type3A_618, %select_n3A_417 : vector<1024xi1>, vector<1024xf32>
    %broadcast_in_dim3A_620 = arith.constant 0x7F800000 : f32
    %broadcast_in_dim3A_621 = vector.broadcast %broadcast_in_dim3A_620 : f32 to vector<1024x128xf32>
    %broadcast_in_dim3A_622 = arith.constant 0.000000e+00 : f32
    %broadcast_in_dim3A_623 = vector.broadcast %broadcast_in_dim3A_622 : f32 to vector<1024x128xf32>
    %slice3A_624 = vector.extract_strided_slice %dot_general3A_12 {offsets = [0, 6144], sizes = [1024, 128], strides = [1, 1]} : vector<1024x8192xf32> to vector<1024x128xf32>
    %sub3A_625 = vector.broadcast %broadcast_in_dim3A : vector<1024x1xf32> to vector<1024x128xf32>
    %sub3A_626 = arith.subf %sub3A_625, %slice3A_624 : vector<1024x128xf32>
    %slice3A_627 = vector.extract_strided_slice %broadcast_in_dim3A_16 {offsets = [0, 6144], sizes = [1, 128], strides = [1, 1]} : vector<1x8192xf32> to vector<1x128xf32>
    %add3A_628 = vector.broadcast %slice3A_627 : vector<1x128xf32> to vector<1024x128xf32>
    %add3A_629 = arith.addf %sub3A_626, %add3A_628 : vector<1024x128xf32>
    %lt3A_630 = arith.cmpf olt, %add3A_629, %broadcast_in_dim3A_621 : vector<1024x128xf32>
    %select_n3A_631 = arith.select %lt3A_630, %add3A_629, %broadcast_in_dim3A_621 : vector<1024x128xi1>, vector<1024x128xf32>
    %jit3A_632 = arith.constant 0.000000e+00 : f32
    %broadcast_in_dim3A_633 = vector.broadcast %jit3A_632 : f32 to vector<1024x128xf32>
    %select_n3A_634 = arith.select %lt3A_630, %broadcast_in_dim3A_633, %broadcast_in_dim3A_623 : vector<1024x128xi1>, vector<1024x128xf32>
    %slice3A_635 = vector.extract_strided_slice %dot_general3A_12 {offsets = [0, 6272], sizes = [1024, 128], strides = [1, 1]} : vector<1024x8192xf32> to vector<1024x128xf32>
    %sub3A_636 = vector.broadcast %broadcast_in_dim3A : vector<1024x1xf32> to vector<1024x128xf32>
    %sub3A_637 = arith.subf %sub3A_636, %slice3A_635 : vector<1024x128xf32>
    %slice3A_638 = vector.extract_strided_slice %broadcast_in_dim3A_16 {offsets = [0, 6272], sizes = [1, 128], strides = [1, 1]} : vector<1x8192xf32> to vector<1x128xf32>
    %add3A_639 = vector.broadcast %slice3A_638 : vector<1x128xf32> to vector<1024x128xf32>
    %add3A_640 = arith.addf %sub3A_637, %add3A_639 : vector<1024x128xf32>
    %lt3A_641 = arith.cmpf olt, %add3A_640, %select_n3A_631 : vector<1024x128xf32>
    %select_n3A_642 = arith.select %lt3A_641, %add3A_640, %select_n3A_631 : vector<1024x128xi1>, vector<1024x128xf32>
    %jit3A_643 = arith.constant 1.000000e+00 : f32
    %broadcast_in_dim3A_644 = vector.broadcast %jit3A_643 : f32 to vector<1024x128xf32>
    %select_n3A_645 = arith.select %lt3A_641, %broadcast_in_dim3A_644, %select_n3A_634 : vector<1024x128xi1>, vector<1024x128xf32>
    %slice3A_646 = vector.extract_strided_slice %dot_general3A_12 {offsets = [0, 6400], sizes = [1024, 128], strides = [1, 1]} : vector<1024x8192xf32> to vector<1024x128xf32>
    %sub3A_647 = vector.broadcast %broadcast_in_dim3A : vector<1024x1xf32> to vector<1024x128xf32>
    %sub3A_648 = arith.subf %sub3A_647, %slice3A_646 : vector<1024x128xf32>
    %slice3A_649 = vector.extract_strided_slice %broadcast_in_dim3A_16 {offsets = [0, 6400], sizes = [1, 128], strides = [1, 1]} : vector<1x8192xf32> to vector<1x128xf32>
    %add3A_650 = vector.broadcast %slice3A_649 : vector<1x128xf32> to vector<1024x128xf32>
    %add3A_651 = arith.addf %sub3A_648, %add3A_650 : vector<1024x128xf32>
    %lt3A_652 = arith.cmpf olt, %add3A_651, %select_n3A_642 : vector<1024x128xf32>
    %select_n3A_653 = arith.select %lt3A_652, %add3A_651, %select_n3A_642 : vector<1024x128xi1>, vector<1024x128xf32>
    %jit3A_654 = arith.constant 2.000000e+00 : f32
    %broadcast_in_dim3A_655 = vector.broadcast %jit3A_654 : f32 to vector<1024x128xf32>
    %select_n3A_656 = arith.select %lt3A_652, %broadcast_in_dim3A_655, %select_n3A_645 : vector<1024x128xi1>, vector<1024x128xf32>
    %slice3A_657 = vector.extract_strided_slice %dot_general3A_12 {offsets = [0, 6528], sizes = [1024, 128], strides = [1, 1]} : vector<1024x8192xf32> to vector<1024x128xf32>
    %sub3A_658 = vector.broadcast %broadcast_in_dim3A : vector<1024x1xf32> to vector<1024x128xf32>
    %sub3A_659 = arith.subf %sub3A_658, %slice3A_657 : vector<1024x128xf32>
    %slice3A_660 = vector.extract_strided_slice %broadcast_in_dim3A_16 {offsets = [0, 6528], sizes = [1, 128], strides = [1, 1]} : vector<1x8192xf32> to vector<1x128xf32>
    %add3A_661 = vector.broadcast %slice3A_660 : vector<1x128xf32> to vector<1024x128xf32>
    %add3A_662 = arith.addf %sub3A_659, %add3A_661 : vector<1024x128xf32>
    %lt3A_663 = arith.cmpf olt, %add3A_662, %select_n3A_653 : vector<1024x128xf32>
    %select_n3A_664 = arith.select %lt3A_663, %add3A_662, %select_n3A_653 : vector<1024x128xi1>, vector<1024x128xf32>
    %jit3A_665 = arith.constant 3.000000e+00 : f32
    %broadcast_in_dim3A_666 = vector.broadcast %jit3A_665 : f32 to vector<1024x128xf32>
    %select_n3A_667 = arith.select %lt3A_663, %broadcast_in_dim3A_666, %select_n3A_656 : vector<1024x128xi1>, vector<1024x128xf32>
    %slice3A_668 = vector.extract_strided_slice %dot_general3A_12 {offsets = [0, 6656], sizes = [1024, 128], strides = [1, 1]} : vector<1024x8192xf32> to vector<1024x128xf32>
    %sub3A_669 = vector.broadcast %broadcast_in_dim3A : vector<1024x1xf32> to vector<1024x128xf32>
    %sub3A_670 = arith.subf %sub3A_669, %slice3A_668 : vector<1024x128xf32>
    %slice3A_671 = vector.extract_strided_slice %broadcast_in_dim3A_16 {offsets = [0, 6656], sizes = [1, 128], strides = [1, 1]} : vector<1x8192xf32> to vector<1x128xf32>
    %add3A_672 = vector.broadcast %slice3A_671 : vector<1x128xf32> to vector<1024x128xf32>
    %add3A_673 = arith.addf %sub3A_670, %add3A_672 : vector<1024x128xf32>
    %lt3A_674 = arith.cmpf olt, %add3A_673, %select_n3A_664 : vector<1024x128xf32>
    %select_n3A_675 = arith.select %lt3A_674, %add3A_673, %select_n3A_664 : vector<1024x128xi1>, vector<1024x128xf32>
    %jit3A_676 = arith.constant 4.000000e+00 : f32
    %broadcast_in_dim3A_677 = vector.broadcast %jit3A_676 : f32 to vector<1024x128xf32>
    %select_n3A_678 = arith.select %lt3A_674, %broadcast_in_dim3A_677, %select_n3A_667 : vector<1024x128xi1>, vector<1024x128xf32>
    %slice3A_679 = vector.extract_strided_slice %dot_general3A_12 {offsets = [0, 6784], sizes = [1024, 128], strides = [1, 1]} : vector<1024x8192xf32> to vector<1024x128xf32>
    %sub3A_680 = vector.broadcast %broadcast_in_dim3A : vector<1024x1xf32> to vector<1024x128xf32>
    %sub3A_681 = arith.subf %sub3A_680, %slice3A_679 : vector<1024x128xf32>
    %slice3A_682 = vector.extract_strided_slice %broadcast_in_dim3A_16 {offsets = [0, 6784], sizes = [1, 128], strides = [1, 1]} : vector<1x8192xf32> to vector<1x128xf32>
    %add3A_683 = vector.broadcast %slice3A_682 : vector<1x128xf32> to vector<1024x128xf32>
    %add3A_684 = arith.addf %sub3A_681, %add3A_683 : vector<1024x128xf32>
    %lt3A_685 = arith.cmpf olt, %add3A_684, %select_n3A_675 : vector<1024x128xf32>
    %select_n3A_686 = arith.select %lt3A_685, %add3A_684, %select_n3A_675 : vector<1024x128xi1>, vector<1024x128xf32>
    %jit3A_687 = arith.constant 5.000000e+00 : f32
    %broadcast_in_dim3A_688 = vector.broadcast %jit3A_687 : f32 to vector<1024x128xf32>
    %select_n3A_689 = arith.select %lt3A_685, %broadcast_in_dim3A_688, %select_n3A_678 : vector<1024x128xi1>, vector<1024x128xf32>
    %slice3A_690 = vector.extract_strided_slice %dot_general3A_12 {offsets = [0, 6912], sizes = [1024, 128], strides = [1, 1]} : vector<1024x8192xf32> to vector<1024x128xf32>
    %sub3A_691 = vector.broadcast %broadcast_in_dim3A : vector<1024x1xf32> to vector<1024x128xf32>
    %sub3A_692 = arith.subf %sub3A_691, %slice3A_690 : vector<1024x128xf32>
    %slice3A_693 = vector.extract_strided_slice %broadcast_in_dim3A_16 {offsets = [0, 6912], sizes = [1, 128], strides = [1, 1]} : vector<1x8192xf32> to vector<1x128xf32>
    %add3A_694 = vector.broadcast %slice3A_693 : vector<1x128xf32> to vector<1024x128xf32>
    %add3A_695 = arith.addf %sub3A_692, %add3A_694 : vector<1024x128xf32>
    %lt3A_696 = arith.cmpf olt, %add3A_695, %select_n3A_686 : vector<1024x128xf32>
    %select_n3A_697 = arith.select %lt3A_696, %add3A_695, %select_n3A_686 : vector<1024x128xi1>, vector<1024x128xf32>
    %jit3A_698 = arith.constant 6.000000e+00 : f32
    %broadcast_in_dim3A_699 = vector.broadcast %jit3A_698 : f32 to vector<1024x128xf32>
    %select_n3A_700 = arith.select %lt3A_696, %broadcast_in_dim3A_699, %select_n3A_689 : vector<1024x128xi1>, vector<1024x128xf32>
    %slice3A_701 = vector.extract_strided_slice %dot_general3A_12 {offsets = [0, 7040], sizes = [1024, 128], strides = [1, 1]} : vector<1024x8192xf32> to vector<1024x128xf32>
    %sub3A_702 = vector.broadcast %broadcast_in_dim3A : vector<1024x1xf32> to vector<1024x128xf32>
    %sub3A_703 = arith.subf %sub3A_702, %slice3A_701 : vector<1024x128xf32>
    %slice3A_704 = vector.extract_strided_slice %broadcast_in_dim3A_16 {offsets = [0, 7040], sizes = [1, 128], strides = [1, 1]} : vector<1x8192xf32> to vector<1x128xf32>
    %add3A_705 = vector.broadcast %slice3A_704 : vector<1x128xf32> to vector<1024x128xf32>
    %add3A_706 = arith.addf %sub3A_703, %add3A_705 : vector<1024x128xf32>
    %lt3A_707 = arith.cmpf olt, %add3A_706, %select_n3A_697 : vector<1024x128xf32>
    %select_n3A_708 = arith.select %lt3A_707, %add3A_706, %select_n3A_697 : vector<1024x128xi1>, vector<1024x128xf32>
    %jit3A_709 = arith.constant 7.000000e+00 : f32
    %broadcast_in_dim3A_710 = vector.broadcast %jit3A_709 : f32 to vector<1024x128xf32>
    %select_n3A_711 = arith.select %lt3A_707, %broadcast_in_dim3A_710, %select_n3A_700 : vector<1024x128xi1>, vector<1024x128xf32>
    %slice3A_712 = vector.extract_strided_slice %dot_general3A_12 {offsets = [0, 7168], sizes = [1024, 128], strides = [1, 1]} : vector<1024x8192xf32> to vector<1024x128xf32>
    %sub3A_713 = vector.broadcast %broadcast_in_dim3A : vector<1024x1xf32> to vector<1024x128xf32>
    %sub3A_714 = arith.subf %sub3A_713, %slice3A_712 : vector<1024x128xf32>
    %slice3A_715 = vector.extract_strided_slice %broadcast_in_dim3A_16 {offsets = [0, 7168], sizes = [1, 128], strides = [1, 1]} : vector<1x8192xf32> to vector<1x128xf32>
    %add3A_716 = vector.broadcast %slice3A_715 : vector<1x128xf32> to vector<1024x128xf32>
    %add3A_717 = arith.addf %sub3A_714, %add3A_716 : vector<1024x128xf32>
    %lt3A_718 = arith.cmpf olt, %add3A_717, %select_n3A_708 : vector<1024x128xf32>
    %select_n3A_719 = arith.select %lt3A_718, %add3A_717, %select_n3A_708 : vector<1024x128xi1>, vector<1024x128xf32>
    %jit3A_720 = arith.constant 8.000000e+00 : f32
    %broadcast_in_dim3A_721 = vector.broadcast %jit3A_720 : f32 to vector<1024x128xf32>
    %select_n3A_722 = arith.select %lt3A_718, %broadcast_in_dim3A_721, %select_n3A_711 : vector<1024x128xi1>, vector<1024x128xf32>
    %slice3A_723 = vector.extract_strided_slice %dot_general3A_12 {offsets = [0, 7296], sizes = [1024, 128], strides = [1, 1]} : vector<1024x8192xf32> to vector<1024x128xf32>
    %sub3A_724 = vector.broadcast %broadcast_in_dim3A : vector<1024x1xf32> to vector<1024x128xf32>
    %sub3A_725 = arith.subf %sub3A_724, %slice3A_723 : vector<1024x128xf32>
    %slice3A_726 = vector.extract_strided_slice %broadcast_in_dim3A_16 {offsets = [0, 7296], sizes = [1, 128], strides = [1, 1]} : vector<1x8192xf32> to vector<1x128xf32>
    %add3A_727 = vector.broadcast %slice3A_726 : vector<1x128xf32> to vector<1024x128xf32>
    %add3A_728 = arith.addf %sub3A_725, %add3A_727 : vector<1024x128xf32>
    %lt3A_729 = arith.cmpf olt, %add3A_728, %select_n3A_719 : vector<1024x128xf32>
    %select_n3A_730 = arith.select %lt3A_729, %add3A_728, %select_n3A_719 : vector<1024x128xi1>, vector<1024x128xf32>
    %jit3A_731 = arith.constant 9.000000e+00 : f32
    %broadcast_in_dim3A_732 = vector.broadcast %jit3A_731 : f32 to vector<1024x128xf32>
    %select_n3A_733 = arith.select %lt3A_729, %broadcast_in_dim3A_732, %select_n3A_722 : vector<1024x128xi1>, vector<1024x128xf32>
    %slice3A_734 = vector.extract_strided_slice %dot_general3A_12 {offsets = [0, 7424], sizes = [1024, 128], strides = [1, 1]} : vector<1024x8192xf32> to vector<1024x128xf32>
    %sub3A_735 = vector.broadcast %broadcast_in_dim3A : vector<1024x1xf32> to vector<1024x128xf32>
    %sub3A_736 = arith.subf %sub3A_735, %slice3A_734 : vector<1024x128xf32>
    %slice3A_737 = vector.extract_strided_slice %broadcast_in_dim3A_16 {offsets = [0, 7424], sizes = [1, 128], strides = [1, 1]} : vector<1x8192xf32> to vector<1x128xf32>
    %add3A_738 = vector.broadcast %slice3A_737 : vector<1x128xf32> to vector<1024x128xf32>
    %add3A_739 = arith.addf %sub3A_736, %add3A_738 : vector<1024x128xf32>
    %lt3A_740 = arith.cmpf olt, %add3A_739, %select_n3A_730 : vector<1024x128xf32>
    %select_n3A_741 = arith.select %lt3A_740, %add3A_739, %select_n3A_730 : vector<1024x128xi1>, vector<1024x128xf32>
    %jit3A_742 = arith.constant 1.000000e+01 : f32
    %broadcast_in_dim3A_743 = vector.broadcast %jit3A_742 : f32 to vector<1024x128xf32>
    %select_n3A_744 = arith.select %lt3A_740, %broadcast_in_dim3A_743, %select_n3A_733 : vector<1024x128xi1>, vector<1024x128xf32>
    %slice3A_745 = vector.extract_strided_slice %dot_general3A_12 {offsets = [0, 7552], sizes = [1024, 128], strides = [1, 1]} : vector<1024x8192xf32> to vector<1024x128xf32>
    %sub3A_746 = vector.broadcast %broadcast_in_dim3A : vector<1024x1xf32> to vector<1024x128xf32>
    %sub3A_747 = arith.subf %sub3A_746, %slice3A_745 : vector<1024x128xf32>
    %slice3A_748 = vector.extract_strided_slice %broadcast_in_dim3A_16 {offsets = [0, 7552], sizes = [1, 128], strides = [1, 1]} : vector<1x8192xf32> to vector<1x128xf32>
    %add3A_749 = vector.broadcast %slice3A_748 : vector<1x128xf32> to vector<1024x128xf32>
    %add3A_750 = arith.addf %sub3A_747, %add3A_749 : vector<1024x128xf32>
    %lt3A_751 = arith.cmpf olt, %add3A_750, %select_n3A_741 : vector<1024x128xf32>
    %select_n3A_752 = arith.select %lt3A_751, %add3A_750, %select_n3A_741 : vector<1024x128xi1>, vector<1024x128xf32>
    %jit3A_753 = arith.constant 1.100000e+01 : f32
    %broadcast_in_dim3A_754 = vector.broadcast %jit3A_753 : f32 to vector<1024x128xf32>
    %select_n3A_755 = arith.select %lt3A_751, %broadcast_in_dim3A_754, %select_n3A_744 : vector<1024x128xi1>, vector<1024x128xf32>
    %slice3A_756 = vector.extract_strided_slice %dot_general3A_12 {offsets = [0, 7680], sizes = [1024, 128], strides = [1, 1]} : vector<1024x8192xf32> to vector<1024x128xf32>
    %sub3A_757 = vector.broadcast %broadcast_in_dim3A : vector<1024x1xf32> to vector<1024x128xf32>
    %sub3A_758 = arith.subf %sub3A_757, %slice3A_756 : vector<1024x128xf32>
    %slice3A_759 = vector.extract_strided_slice %broadcast_in_dim3A_16 {offsets = [0, 7680], sizes = [1, 128], strides = [1, 1]} : vector<1x8192xf32> to vector<1x128xf32>
    %add3A_760 = vector.broadcast %slice3A_759 : vector<1x128xf32> to vector<1024x128xf32>
    %add3A_761 = arith.addf %sub3A_758, %add3A_760 : vector<1024x128xf32>
    %lt3A_762 = arith.cmpf olt, %add3A_761, %select_n3A_752 : vector<1024x128xf32>
    %select_n3A_763 = arith.select %lt3A_762, %add3A_761, %select_n3A_752 : vector<1024x128xi1>, vector<1024x128xf32>
    %jit3A_764 = arith.constant 1.200000e+01 : f32
    %broadcast_in_dim3A_765 = vector.broadcast %jit3A_764 : f32 to vector<1024x128xf32>
    %select_n3A_766 = arith.select %lt3A_762, %broadcast_in_dim3A_765, %select_n3A_755 : vector<1024x128xi1>, vector<1024x128xf32>
    %slice3A_767 = vector.extract_strided_slice %dot_general3A_12 {offsets = [0, 7808], sizes = [1024, 128], strides = [1, 1]} : vector<1024x8192xf32> to vector<1024x128xf32>
    %sub3A_768 = vector.broadcast %broadcast_in_dim3A : vector<1024x1xf32> to vector<1024x128xf32>
    %sub3A_769 = arith.subf %sub3A_768, %slice3A_767 : vector<1024x128xf32>
    %slice3A_770 = vector.extract_strided_slice %broadcast_in_dim3A_16 {offsets = [0, 7808], sizes = [1, 128], strides = [1, 1]} : vector<1x8192xf32> to vector<1x128xf32>
    %add3A_771 = vector.broadcast %slice3A_770 : vector<1x128xf32> to vector<1024x128xf32>
    %add3A_772 = arith.addf %sub3A_769, %add3A_771 : vector<1024x128xf32>
    %lt3A_773 = arith.cmpf olt, %add3A_772, %select_n3A_763 : vector<1024x128xf32>
    %select_n3A_774 = arith.select %lt3A_773, %add3A_772, %select_n3A_763 : vector<1024x128xi1>, vector<1024x128xf32>
    %jit3A_775 = arith.constant 1.300000e+01 : f32
    %broadcast_in_dim3A_776 = vector.broadcast %jit3A_775 : f32 to vector<1024x128xf32>
    %select_n3A_777 = arith.select %lt3A_773, %broadcast_in_dim3A_776, %select_n3A_766 : vector<1024x128xi1>, vector<1024x128xf32>
    %slice3A_778 = vector.extract_strided_slice %dot_general3A_12 {offsets = [0, 7936], sizes = [1024, 128], strides = [1, 1]} : vector<1024x8192xf32> to vector<1024x128xf32>
    %sub3A_779 = vector.broadcast %broadcast_in_dim3A : vector<1024x1xf32> to vector<1024x128xf32>
    %sub3A_780 = arith.subf %sub3A_779, %slice3A_778 : vector<1024x128xf32>
    %slice3A_781 = vector.extract_strided_slice %broadcast_in_dim3A_16 {offsets = [0, 7936], sizes = [1, 128], strides = [1, 1]} : vector<1x8192xf32> to vector<1x128xf32>
    %add3A_782 = vector.broadcast %slice3A_781 : vector<1x128xf32> to vector<1024x128xf32>
    %add3A_783 = arith.addf %sub3A_780, %add3A_782 : vector<1024x128xf32>
    %lt3A_784 = arith.cmpf olt, %add3A_783, %select_n3A_774 : vector<1024x128xf32>
    %select_n3A_785 = arith.select %lt3A_784, %add3A_783, %select_n3A_774 : vector<1024x128xi1>, vector<1024x128xf32>
    %jit3A_786 = arith.constant 1.400000e+01 : f32
    %broadcast_in_dim3A_787 = vector.broadcast %jit3A_786 : f32 to vector<1024x128xf32>
    %select_n3A_788 = arith.select %lt3A_784, %broadcast_in_dim3A_787, %select_n3A_777 : vector<1024x128xi1>, vector<1024x128xf32>
    %slice3A_789 = vector.extract_strided_slice %dot_general3A_12 {offsets = [0, 8064], sizes = [1024, 128], strides = [1, 1]} : vector<1024x8192xf32> to vector<1024x128xf32>
    %sub3A_790 = vector.broadcast %broadcast_in_dim3A : vector<1024x1xf32> to vector<1024x128xf32>
    %sub3A_791 = arith.subf %sub3A_790, %slice3A_789 : vector<1024x128xf32>
    %slice3A_792 = vector.extract_strided_slice %broadcast_in_dim3A_16 {offsets = [0, 8064], sizes = [1, 128], strides = [1, 1]} : vector<1x8192xf32> to vector<1x128xf32>
    %add3A_793 = vector.broadcast %slice3A_792 : vector<1x128xf32> to vector<1024x128xf32>
    %add3A_794 = arith.addf %sub3A_791, %add3A_793 : vector<1024x128xf32>
    %lt3A_795 = arith.cmpf olt, %add3A_794, %select_n3A_785 : vector<1024x128xf32>
    %select_n3A_796 = arith.select %lt3A_795, %add3A_794, %select_n3A_785 : vector<1024x128xi1>, vector<1024x128xf32>
    %jit3A_797 = arith.constant 1.500000e+01 : f32
    %broadcast_in_dim3A_798 = vector.broadcast %jit3A_797 : f32 to vector<1024x128xf32>
    %select_n3A_799 = arith.select %lt3A_795, %broadcast_in_dim3A_798, %select_n3A_788 : vector<1024x128xi1>, vector<1024x128xf32>
    %reduce_min3A_800 = arith.constant dense<0x7F800000> : vector<1024xf32>
    %reduce_min3A_801 = vector.multi_reduction <minimumf>, %select_n3A_796, %reduce_min3A_800 [1] : vector<1024x128xf32> to vector<1024xf32>
    %mul3A_802 = arith.constant 1.280000e+02 : f32
    %mul3A_803 = vector.broadcast %mul3A_802 : f32 to vector<1024x128xf32>
    %mul3A_804 = arith.mulf %select_n3A_799, %mul3A_803 : vector<1024x128xf32>
    %add3A_805 = arith.addf %mul3A_804, %convert_element_type3A_17 : vector<1024x128xf32>
    %broadcast_in_dim3A_806 = vector.shape_cast %reduce_min3A_801 : vector<1024xf32> to vector<1024x1xf32>
    %eq3A_807 = vector.broadcast %broadcast_in_dim3A_806 : vector<1024x1xf32> to vector<1024x128xf32>
    %eq3A_808 = arith.cmpf oeq, %select_n3A_796, %eq3A_807 : vector<1024x128xf32>
    %jit3A_809 = arith.constant 8.192000e+03 : f32
    %broadcast_in_dim3A_810 = vector.broadcast %jit3A_809 : f32 to vector<1024x128xf32>
    %select_n3A_811 = arith.select %eq3A_808, %add3A_805, %broadcast_in_dim3A_810 : vector<1024x128xi1>, vector<1024x128xf32>
    %reduce_min3A_812 = arith.constant dense<0x7F800000> : vector<1024xf32>
    %reduce_min3A_813 = vector.multi_reduction <minimumf>, %select_n3A_811, %reduce_min3A_812 [1] : vector<1024x128xf32> to vector<1024xf32>
    %lt3A_814 = arith.cmpf olt, %reduce_min3A_801, %select_n3A_619 : vector<1024xf32>
    %add3A_815 = arith.constant 6.144000e+03 : f32
    %add3A_816 = vector.broadcast %add3A_815 : f32 to vector<1024xf32>
    %add3A_817 = arith.addf %reduce_min3A_813, %add3A_816 : vector<1024xf32>
    %select_n3A_818 = arith.select %lt3A_814, %add3A_817, %select_n3A_616 : vector<1024xi1>, vector<1024xf32>
    %convert_element_type3A_819 = arith.fptosi %select_n3A_818 : vector<1024xf32> to vector<1024xi32>
    %reshape3A_820 = vector.shape_cast %convert_element_type3A_819 : vector<1024xi32> to vector<4x2x128xi32>
    %swap3A = arith.constant 0 : index
    %swap3A_821 = arith.constant 0 : index
    %swap3A_822 = arith.constant 0 : index
    %swap3A_823 = vector.load %arg3[%swap3A, %swap3A_821, %swap3A_822] : memref<4x2x128xi32, #tpu.memory_space<vmem>>, vector<4x2x128xi32>
    tpu.vector_store %arg3[%swap3A, %swap3A_821, %swap3A_822], %reshape3A_820 {strides = array<i32>} : memref<4x2x128xi32, #tpu.memory_space<vmem>>, vector<4x2x128xi32>,
    %mul3A_824 = arith.constant 1024 : i32
    %mul3A_825 = arith.muli %arg0, %mul3A_824 : i32
    %get3A_826 = arith.constant 0 : index
    %get3A_827 = arith.index_cast %mul3A_825 : i32 to index
    %get3A_828 = vector.load %arg2[%get3A_826, %get3A_827] : memref<32x8192xf32, #tpu.memory_space<vmem>>, vector<32x1024xf32>
    %transpose3A = tpu.transpose %get3A_828, [1, 0] : vector<32x1024xf32> -> vector<1024x32xf32>
    %swap3A_829 = arith.constant 0 : index
    %swap3A_830 = arith.constant 0 : index
    %swap3A_831 = vector.load %arg4[%swap3A_829, %swap3A_830] : memref<1024x32xf32, #tpu.memory_space<vmem>>, vector<1024x32xf32>
    tpu.vector_store %arg4[%swap3A_829, %swap3A_830], %transpose3A {strides = array<i32>} : memref<1024x32xf32, #tpu.memory_space<vmem>>, vector<1024x32xf32>,
    return
  }
  func.func @transform_0(%arg0: i32) -> (i32, i32, i32, i32) {
    %c0_i32 = arith.constant 0 : i32
    %c0_i32_0 = arith.constant 0 : i32
    %c0_i32_1 = arith.constant 0 : i32
    %c0_i32_2 = arith.constant 0 : i32
    return %arg0, %c0_i32, %c0_i32_0, %c0_i32_1 : i32, i32, i32, i32
  }
  func.func @transform_1(%arg0: i32) -> (i32, i32) {
    %c0_i32 = arith.constant 0 : i32
    %c0_i32_0 = arith.constant 0 : i32
    %c0_i32_1 = arith.constant 0 : i32
    return %c0_i32, %c0_i32_0 : i32, i32
  }
  func.func @transform_2(%arg0: i32) -> (i32, i32, i32) {
    %c0_i32 = arith.constant 0 : i32
    %c0_i32_0 = arith.constant 0 : i32
    %c0_i32_1 = arith.constant 0 : i32
    return %arg0, %c0_i32, %c0_i32_0 : i32, i32, i32
  }
  func.func @transform_3(%arg0: i32) -> (i32, i32) {
    %c0_i32 = arith.constant 0 : i32
    %c0_i32_0 = arith.constant 0 : i32
    return %arg0, %c0_i32 : i32, i32
  }
}

</mosaic_0001>

<sc_bundles>
// kernel: kernel.4.cloned.1.call-start
scs
__scs_entry_jumppad:
0x0: {  	(pc) =	sbr.rel $0x88, $3  }
0x1: {  	(tag) =	ssettag $0x0;
	lr =	simm.s32 $0x1  }
0x2: {  	[smem:$0x3F9F] =	sst lr;
	_ =	strace $0xD0000000  }
0x3: {  	_ = 	snop  }
0x4: {  	_ = 	snop  }
0x5: {  	_ = 	snop  }
0x6: {  	_ = 	snop  }
0x7: {  	_ = 	snop  }
__scs_overlays_trampoline_lowered:
0x8: {  	[smem:$0x3FAE] =	sst s0  }
0x9: {  	[smem:$0x3FAF] =	sst s1  }
0xa: {  	[smem:$0x3FB0] =	sst s2  }
0xb: {  	[smem:$0x3FB1] =	sst s3  }
0xc: {  	[smem:$0x3FB2] =	sst s4  }
0xd: {  	[smem:$0x3FB3] =	sst s5  }
0xe: {  	[smem:$0x3FB4] =	sst s6  }
0xf: {  	[smem:$0x3FB5] =	sst s7  }
0x10: {  	[smem:$0x3FB6] =	sst s8  }
0x11: {  	[smem:$0x3FB7] =	sst s9;
	s0 =	simm.s32 @!p0 $0x0  }
0x12: {  	s1 =	sld [smem:$0x3F9D];
	s0 =	simm.s32 @p0 $0x1  }
0x13: {  	[smem:$0x3FB8] =	sst s0;
	s0 =	simm.s32 @!p1 $0x0  }
0x14: {  	s2 =	sld [smem:$0x3F9C];
	s0 =	simm.s32 @p1 $0x1  }
0x15: {  	[smem:$0x3FB9] =	sst s0;
	s0 =	simm.s32 @!p2 $0x0  }
0x16: {  	s3 =	sld [smem:$0x3FDB];
	s0 =	simm.s32 @p2 $0x1  }
0x17: {  	s4 =	simm.s32 $0x1BF5;
	[smem:$0x3FBB] =	sst s0  }
0x18: {  	s0 =	sld [smem:$0x3F9E];
	_ =	swait.ge [sflag:s4], $0x0  }
0x19: {  	s7 =	sld [smem:$0x3F9F]  }
0x1a: {  	s8 =	sadd.s32 $0xFFFFE003, lr  }
0x1b: {  	s9 =	sadd.s32 $0xFFFFFEF7, lr;
	s5 =	simm.s32 $0xFFFFFFFF;
	p2 =	slt.u32 s8, $0xFFFFF086  }
0x1c: {  	p1 =	slt.u32 s9, $0xF7A;
	s5 =	simm.s32 @!p2 $0x0  }
0x1d: {  	s5 =	simm.s32 @p1 $0x1;
	p0 =	seq.s32 s7, s2  }
0x1e: {  	s7 =	smul.u32 @!p0 $0xF7A, s2;
	p2 =	seq.s32 @!p0 s5, $0x0  }
0x1f: {  	s9 =	smul.u32 $0xF7A, s1;
	s8 =	simm.s32 @!p0 $0x1BF5;
	p2 =	por !p2, p0  }
0x20: {  	[sflag:s8] =	ssyncset.s32 @!p0 $0xFFFFF086;
	s6 =	sadd.s32 @!p0 s3, s7;
	s7 =	simm.s32 @!p0 $0x108  }
0x21: {  	s3 =	sadd.s32 s3, s9;
	s6 =	sadd.s32 @!p0 $0x88, s6;
	s7 =	simm.s32 @p2 $0x1082  }
0x22: {  	[simem:s7], [sflag:s8] =	dma.local @!p0 [hbm:s6], $0xF7A  }
0x23: {  	s9 =	sor.u32 $0xD0000000, s2;
	s6 =	simm.s32 $0x108;
	_ =	swait.ge @!p0 [sflag:s8], $0x0  }
0x24: {  	s3 =	sadd.s32 $0x88, s3;
	s6 =	simm.s32 @!p1 $0x1082;
	[sflag:s4] =	ssyncset.s32 $0xFFFFF086  }
0x25: {  	[simem:s6], [sflag:s4] =	dma.local [hbm:s3], $0xF7A  }
0x26: {  	[smem:$0x3F9F] =	sst s1;
	(tag) =	ssettag s2;
	_ =	strace s9  }
0x27: {  	s1 =	sld [smem:$0x3FAF]  }
0x28: {  	s2 =	sld [smem:$0x3FB0]  }
0x29: {  	s4 =	sld [smem:$0x3FB2]  }
0x2a: {  	p0 =	seq.s32 s5, $0x0;
	s5 =	sld [smem:$0x3FB3]  }
0x2b: {  	s6 =	sld [smem:$0x3FB4]  }
0x2c: {  	s7 =	sld [smem:$0x3FB5]  }
0x2d: {  	s3 =	simm.s32 $0x108;
	s8 =	sld [smem:$0x3FB6]  }
0x2e: {  	s3 =	simm.s32 @!p0 $0x1082;
	s9 =	sld [smem:$0x3FB7]  }
0x2f: {  	lr =	sadd.s32 s0, s3;
	s0 =	sld [smem:$0x3FAE]  }
0x30: {  	s3 =	sld [smem:$0x3FB1]  }
0x31: {  	[smem:$0x3FBA] =	sst s10  }
0x32: {  	s10 =	sld [smem:$0x3FB8];
	_ =	sdelay $0x3  }
0x33: {  	p0 =	seq.s32 s10, $0x1;
	s10 =	sld [smem:$0x3FBA];
	_ =	sdelay $0x3  }
0x34: {  	[smem:$0x3FBA] =	sst s10  }
0x35: {  	s10 =	sld [smem:$0x3FB9];
	_ =	sdelay $0x3  }
0x36: {  	p1 =	seq.s32 s10, $0x1;
	s10 =	sld [smem:$0x3FBA];
	_ =	sdelay $0x3  }
0x37: {  	[smem:$0x3FBA] =	sst s10  }
0x38: {  	s10 =	sld [smem:$0x3FBB]  }
0x39: {  	_ = 	snop;
	(pc) =	sbr.ind lr, $3  }
0x3a: {  	_ = 	snop  }
0x3b: {  	_ = 	snop  }
0x3c: {  	p2 =	seq.s32 s10, $0x1;
	s10 =	sld [smem:$0x3FBA]  }
0x3d: {  	_ =	shalt  }
0x3e: {  	_ =	shalt  }
0x3f: {  	_ =	shalt  }
0x40: {  	_ =	shalt  }
0x41: {  	_ =	shalt  }
0x42: {  	_ =	shalt  }
0x43: {  	_ =	shalt  }
0x44: {  	_ =	shalt  }
0x45: {  	_ =	shalt  }
0x46: {  	_ =	shalt  }
0x47: {  	_ =	shalt  }
0x48: {  	_ =	shalt  }
0x49: {  	_ =	shalt  }
0x4a: {  	_ =	shalt  }
0x4b: {  	_ =	shalt  }
0x4c: {  	_ =	shalt  }
0x4d: {  	_ =	shalt  }
0x4e: {  	_ =	shalt  }
0x4f: {  	_ =	shalt  }
0x50: {  	_ =	shalt  }
0x51: {  	_ =	shalt  }
0x52: {  	_ =	shalt  }
0x53: {  	_ =	shalt  }
0x54: {  	_ =	shalt  }
0x55: {  	_ =	shalt  }
0x56: {  	_ =	shalt  }
0x57: {  	_ =	shalt  }
0x58: {  	_ =	shalt  }
0x59: {  	_ =	shalt  }
0x5a: {  	_ =	shalt  }
0x5b: {  	_ =	shalt  }
0x5c: {  	_ =	shalt  }
0x5d: {  	_ =	shalt  }
0x5e: {  	_ =	shalt  }
0x5f: {  	_ =	shalt  }
0x60: {  	_ =	shalt  }
0x61: {  	_ =	shalt  }
0x62: {  	_ =	shalt  }
0x63: {  	_ =	shalt  }
0x64: {  	_ =	shalt  }
0x65: {  	_ =	shalt  }
0x66: {  	_ =	shalt  }
0x67: {  	_ =	shalt  }
0x68: {  	_ =	shalt  }
0x69: {  	_ =	shalt  }
0x6a: {  	_ =	shalt  }
0x6b: {  	_ =	shalt  }
0x6c: {  	_ =	shalt  }
0x6d: {  	_ =	shalt  }
0x6e: {  	_ =	shalt  }
0x6f: {  	_ =	shalt  }
0x70: {  	_ =	shalt  }
0x71: {  	_ =	shalt  }
0x72: {  	_ =	shalt  }
0x73: {  	_ =	shalt  }
0x74: {  	_ =	shalt  }
0x75: {  	_ =	shalt  }
0x76: {  	_ =	shalt  }
0x77: {  	_ =	shalt  }
0x78: {  	_ =	shalt  }
0x79: {  	_ =	shalt  }
0x7a: {  	_ =	shalt  }
0x7b: {  	_ =	shalt  }
0x7c: {  	_ =	shalt  }
0x7d: {  	_ =	shalt  }
0x7e: {  	_ =	shalt  }
0x7f: {  	_ =	shalt  }
0x80: {  	_ =	shalt  }
0x81: {  	_ =	shalt  }
0x82: {  	_ =	shalt  }
0x83: {  	_ =	shalt  }
0x84: {  	_ =	shalt  }
0x85: {  	_ =	shalt  }
0x86: {  	_ =	shalt  }
0x87: {  	_ =	shalt  }
.Lfunc_end0:
.L_simem_size_0:
called_computation_lowered:
.L_overlay_start_0:
0x88: {  	s2 =	sld [smem:$0x3FD9]  }
0x89: {  	s3 =	sld [smem:$0x3FFE];
	_ =	sdelay $0x1  }
0x8a: {  	s1 =	srdreg.scid  }
0x8b: {  	s0 =	sand.u32 $0x1, s1  }
0x8c: {  	s17 =	sshll.u32 s0, $0xA;
	s2 =	sadd.s32 s3, s2  }
0x8d: {  	s2 =	sadd.s32 s2, s17  }
0x8e: {  	[smem:$0x3FC6] =	sst s2  }
0x8f: {  	_ = 	snop  }
0x90: {  	s2 =	sld [smem:$0x3FD0];
	(tm) =	ssettm $0x1  }
0x91: {  	s18 =	sld [smem:$0x3FFB];
	_ =	sdelay $0x3  }
0x92: {  	_ =	strace s18  }
0x93: {  	s3 =	sld [smem:$0x3FFC];
	_ =	sdelay $0x3  }
0x94: {  	_ =	strace s3  }
0x95: {  	s3 =	sld [smem:$0x3FFD];
	_ =	sdelay $0x3  }
0x96: {  	_ =	strace s3  }
0x97: {  	_ =	strace $0x8FFFFFFF  }
0x98: {  	s19 =	sld [smem:$0x3FDB];
	_ =	sdelay $0x1  }
0x99: {  	s4 =	simm.s32 $_scs_section_size  }
0x9a: {  	s5 =	simm.s32 $_size__tile_overlayer_lowered;
	s6 =	simm.s32 $_tile_overlayer_lowered  }
0x9b: {  	s22 =	simm.s32 $0x1BFF;
	s21 =	sshll.u32 s6, $0x1;
	s3 =	sadd.s32 s4, s19  }
0x9c: {  	s7 =	simm.s32 $0x0;
	s20 =	sshll.u32 s5, $0x1;
	s5 =	sadd.s32 s21, s3  }
0x9d: {  	[timem:s7], [sflag:s22] =	dma.local [hbm:s5], s20  }
0x9e: {  	_ =	swait.ge [sflag:s22], s20  }
0x9f: {  	s4 =	ssub.s32 $0x0, s20;
	[sflag:s22] =	ssyncset.done $0x0  }
0xa0: {  	[sflag:s22] =	ssyncadd.s32 s4;
	_ =	sdelay $0x1  }
0xa1: {  	s23 =	simm.s32 $0x1B8B  }
0xa2: {  	_ =	swait.ge [sflag:s23], $0x1  }
0xa3: {  	[sflag:s23] =	ssyncset.done $0x0  }
0xa4: {  	s25 =	simm.s32 $0x1B8E;
	s24 =	sld [smem:$0x3FFE];
	[sflag:s23] =	ssyncadd.s32 $0xFFFFFFFF  }
0xa5: {  	s26 =	simm.s32 $execute0_lowered;
	[smem:$0x3FD2] =	sst s25  }
0xa6: {  	s5 =	sshll.u32 s26, $0x1;
	_ =	strace $0x80000046;
	[dreg:$0x1] =	wrdreg $0xFFFFFFFF  }
0xa7: {  	s28 =	simm.s32 $_size_execute0_lowered;
	s3 =	sadd.s32 s3, s5;
	[dreg:$0x0] =	wrdreg $0x0  }
0xa8: {  	s5 =	sshll.u32 s28, $0x1;
	[dreg:$0x2] =	wrdreg s3  }
0xa9: {  	[dreg:$0x3] =	wrdreg s5  }
0xaa: {  	[dreg:$0x4] =	wrdreg $0xC0  }
0xab: {  	_ =	task [dreg:s7], $0x5FFFF  }
0xac: {  	[dreg:$0x1] =	wrdreg $0xFFFFFFFF  }
0xad: {  	[dreg:$0x0] =	wrdreg $0x60  }
0xae: {  	[dreg:$0x2] =	wrdreg s2  }
0xaf: {  	[dreg:$0x3] =	wrdreg s24  }
0xb0: {  	[dreg:$0x4] =	wrdreg $0x9  }
0xb1: {  	_ =	task.clear_ibuf [dreg:s7], $0x5FFFF;
	_ =	strace $0x90000046  }
0xb2: {  	s29 =	simm.s32 $0x9;
	_ =	strace $0x80000048  }
0xb3: {  	_ =	swait.ge [sflag:s29], $0x1  }
0xb4: {  	[sflag:s29] =	ssyncadd.s32 $0xFFFFFFFF  }
0xb5: {  	_ =	strace $0x90000048  }
0xb6: {  	_ =	sfence  }
0xb7: {  	s30 =	sld [smem:$0x0];
	_ =	sdelay $0x2  }
0xb8: {  	s31 =	sshll.u32 s1, $0xD;
	s1 =	sshrl.u32 s1, $0x2  }
0xb9: {  	s3 =	sand.u32 $0x4000, s31;
	s1 =	sadd.s32 s1, s30  }
0xba: {  	s0 =	sor.u32 s3, s0;
	s1 =	sshll.u32 s1, $0x11  }
0xbb: {  	s0 =	sor.u32 s1, s0  }
0xbc: {  	s0 =	sadd.s32 $0x8F2B, s0  }
0xbd: {  	[sflag:s0] =	ssyncadd.remote.s32 $0x1  }
0xbe: {  	_ =	sfence.sel $0xFFFF  }
0xbf: {  	[dreg:$0x0] =	wrdreg $0xFFFFFFFF;
	(pc) =	sbr.abs _section_cstart, $3  }
0xc0: {  	[dreg:$0x1] =	wrdreg $0xFFFFFFFF  }
0xc1: {  	_ =	task.clear_ibuf [dreg:s7], $0x2FFFF;
	_ =	strace $0x9FFFFFFF  }
0xc2: {  	(tm) =	ssettm $0x7FFFFFFF  }
0xc3: {  	_ =	shalt  }
tec
execute0_lowered:
.L_overlay_start_1:
0x0: {  	(tag) =	ssettag $0x1  }
0x1: {  	s1 =	srdreg.scid;
	s0 =	stileid.u32  }
0x2: {  	s2 =	rddreg [dreg:$0x0];
	s20 =	sand.u32 $0x1, s1;
	s30 =	sshll.u32 s0, $0x1  }
0x3: {  	s10 =	rddreg [dreg:$0x1];
	s9 =	sor.u32 s20, s30  }
0x4: {  	s3 =	simm.s32 $0x0;
	s1 =	rddreg [dreg:$0x2];
	s4 =	sshll.u32 s9, $0x5  }
0x5: {  	[smem:$0x7FF] =	sst s3;
	s4 =	sadd.s32 s4, s10  }
0x6: {  	_ =	strace $0x80000047;
	s5 =	sadd.s32 $0xC00, s4;
	s4 =	simm.s32 $0x2  }
0x7: {  	[tilespmem:s3], [sflag:$0x2] =	stream.linear.gather [hbm4b:s5+s3], $0x100, $0x38;
	[tilespmem:$0x2100] =	vst v63  }
0x8: {  	_ =	swait.ge [sflag:s4], $0x100  }
0x9: {  	s6 =	simm.s32 $0x80;
	[sflag:s4] =	ssyncset.done $0x0  }
0xa: {  	s7 =	simm.s32 $0x100;
	s8 =	simm.s32 $0x1;
	[sflag:s4] =	ssyncadd.s32 $0xFFFFFF00  }
0xb: {  	[tilespmem:s7], [sflag:$0x1] =	stream.indirect.gather [hbm4b:s2+s6], $0x20, s3, s6, $0xb8;
	[tilespmem:$0x2100] =	vst v63  }
0xc: {  	s31 =	sshll.u32 s0, $0xB;
	_ =	swait.ge [sflag:s8], $0x1000  }
0xd: {  	s12 =	sand.u32 $0x7000, s31;
	s9 =	sshll.u32 s9, $0xA;
	[sflag:s8] =	ssyncset.done $0x0  }
0xe: {  	s11 =	sand.u32 $0xC00, s9;
	s9 =	simm.s32 $0x1100;
	[sflag:s8] =	ssyncadd.s32 $0xFFFFF000  }
0xf: {  	[tilespmem:s9], [sflag:$0x1] =	stream.indirect.gather [hbm4b:s2+s6], $0x20, s6, s6, $0xb8;
	[tilespmem:$0x2100] =	vst v63  }
0x10: {  	s11 =	sor.u32 s12, s11;
	_ =	swait.ge [sflag:s8], $0x1000  }
0x11: {  	s22 =	sadd.s32 s11, s10;
	[sflag:s8] =	ssyncset.done $0x0  }
0x12: {  	s10 =	sadd.s32 $0x1000, s22;
	[sflag:s8] =	ssyncadd.s32 $0xFFFFF000  }
0x13: {  	[hbm4b:s10+s3] =	stream.linear.scatter [tilespmem:s7], [sflag:$0x2], $0x400, $0x38;
	[tilespmem:$0x2100] =	vst v63  }
0x14: {  	_ =	swait.ge [sflag:s4], $0x400  }
0x15: {  	[sflag:s4] =	ssyncset.done $0x0  }
0x16: {  	s12 =	simm.s32 $0x500;
	s11 =	sadd.s32 $0x1080, s22;
	[sflag:s4] =	ssyncadd.s32 $0xFFFFFC00  }
0x17: {  	[hbm4b:s11+s3] =	stream.linear.scatter [tilespmem:s12], [sflag:$0x2], $0x400, $0x38;
	[tilespmem:$0x2100] =	vst v63  }
0x18: {  	_ =	swait.ge [sflag:s4], $0x400  }
0x19: {  	[sflag:s4] =	ssyncset.done $0x0  }
0x1a: {  	s14 =	simm.s32 $0x900;
	s13 =	sadd.s32 $0x1100, s22;
	[sflag:s4] =	ssyncadd.s32 $0xFFFFFC00  }
0x1b: {  	[hbm4b:s13+s3] =	stream.linear.scatter [tilespmem:s14], [sflag:$0x2], $0x400, $0x38;
	[tilespmem:$0x2100] =	vst v63  }
0x1c: {  	_ =	swait.ge [sflag:s4], $0x400  }
0x1d: {  	[sflag:s4] =	ssyncset.done $0x0  }
0x1e: {  	s16 =	simm.s32 $0xD00;
	s15 =	sadd.s32 $0x1180, s22;
	[sflag:s4] =	ssyncadd.s32 $0xFFFFFC00  }
0x1f: {  	[hbm4b:s15+s3] =	stream.linear.scatter [tilespmem:s16], [sflag:$0x2], $0x400, $0x38;
	[tilespmem:$0x2100] =	vst v63  }
0x20: {  	_ =	swait.ge [sflag:s4], $0x400  }
0x21: {  	[sflag:s4] =	ssyncset.done $0x0  }
0x22: {  	s17 =	sadd.s32 $0x1200, s22;
	[sflag:s4] =	ssyncadd.s32 $0xFFFFFC00  }
0x23: {  	[hbm4b:s17+s3] =	stream.linear.scatter [tilespmem:s9], [sflag:$0x2], $0x400, $0x38;
	[tilespmem:$0x2100] =	vst v63  }
0x24: {  	_ =	swait.ge [sflag:s4], $0x400  }
0x25: {  	s19 =	simm.s32 $0x1500;
	[sflag:s4] =	ssyncset.done $0x0  }
0x26: {  	s23 =	ssub.s32 $0x2, s20;
	s18 =	sadd.s32 $0x1280, s22;
	[sflag:s4] =	ssyncadd.s32 $0xFFFFFC00  }
0x27: {  	[hbm4b:s18+s3] =	stream.linear.scatter [tilespmem:s19], [sflag:$0x2], $0x400, $0x38;
	[tilespmem:$0x2100] =	vst v63  }
0x28: {  	s24 =	sshrl.u32 s23, $0x1;
	_ =	swait.ge [sflag:s4], $0x400  }
0x29: {  	s21 =	simm.s32 $0x1900;
	s23 =	ssub.s32 s23, s24;
	[sflag:s4] =	ssyncset.done $0x0  }
0x2a: {  	s24 =	smax.u32 s23, $0x1;
	s20 =	sadd.s32 $0x1300, s22;
	[sflag:s4] =	ssyncadd.s32 $0xFFFFFC00  }
0x2b: {  	[hbm4b:s20+s3] =	stream.linear.scatter [tilespmem:s21], [sflag:$0x2], $0x400, $0x38;
	[tilespmem:$0x2100] =	vst v63  }
0x2c: {  	p0 =	sne.s32 s24, $0x1;
	_ =	swait.ge [sflag:s4], $0x400  }
.Ltmp0:
0x2d: {  	[sflag:s4] =	ssyncset.done $0x0;
	(pc) =	sbr.rel @!p0 .LBB2_2-.Ltmp0, $4  }
0x2e: {  	s23 =	simm.s32 $0x1D00;
	s22 =	sadd.s32 $0x1380, s22;
	[sflag:s4] =	ssyncadd.s32 $0xFFFFFC00  }
0x2f: {  	[hbm4b:s22+s3] =	stream.linear.scatter [tilespmem:s23], [sflag:$0x2], $0x400, $0x38;
	[tilespmem:$0x2100] =	vst v63  }
0x30: {  	_ =	swait.ge [sflag:s4], $0x400  }
0x31: {  	s24 =	sadd.s32 $0xFFFFFFFF, s24;
	[sflag:s4] =	ssyncset.done $0x0  }
.LBB2_1:
0x32: {  	p0 =	sne.s32 s24, $0x1;
	s24 =	sadd.s32 $0xFFFFFFFF, s24;
	[sflag:s4] =	ssyncadd.s32 $0xFFFFFC00  }
0x33: {  	[tilespmem:s3], [sflag:$0x2] =	stream.linear.gather [hbm4b:s5+s3], $0x100, $0x38;
	[tilespmem:$0x2100] =	vst v63  }
0x34: {  	_ =	swait.ge [sflag:s4], $0x100  }
0x35: {  	[sflag:s4] =	ssyncset.done $0x0  }
0x36: {  	[sflag:s4] =	ssyncadd.s32 $0xFFFFFF00  }
0x37: {  	[tilespmem:s7], [sflag:$0x1] =	stream.indirect.gather [hbm4b:s2+s6], $0x20, s3, s6, $0xb8;
	[tilespmem:$0x2100] =	vst v63  }
0x38: {  	_ =	swait.ge [sflag:s8], $0x1000  }
0x39: {  	[sflag:s8] =	ssyncset.done $0x0  }
0x3a: {  	[sflag:s8] =	ssyncadd.s32 $0xFFFFF000  }
0x3b: {  	[tilespmem:s9], [sflag:$0x1] =	stream.indirect.gather [hbm4b:s2+s6], $0x20, s6, s6, $0xb8;
	[tilespmem:$0x2100] =	vst v63  }
0x3c: {  	_ =	swait.ge [sflag:s8], $0x1000  }
0x3d: {  	[sflag:s8] =	ssyncset.done $0x0  }
0x3e: {  	[sflag:s8] =	ssyncadd.s32 $0xFFFFF000  }
0x3f: {  	[hbm4b:s10+s3] =	stream.linear.scatter [tilespmem:s7], [sflag:$0x2], $0x400, $0x38;
	[tilespmem:$0x2100] =	vst v63  }
0x40: {  	_ =	swait.ge [sflag:s4], $0x400  }
0x41: {  	[sflag:s4] =	ssyncset.done $0x0  }
0x42: {  	[sflag:s4] =	ssyncadd.s32 $0xFFFFFC00  }
0x43: {  	[hbm4b:s11+s3] =	stream.linear.scatter [tilespmem:s12], [sflag:$0x2], $0x400, $0x38;
	[tilespmem:$0x2100] =	vst v63  }
0x44: {  	_ =	swait.ge [sflag:s4], $0x400  }
0x45: {  	[sflag:s4] =	ssyncset.done $0x0  }
0x46: {  	[sflag:s4] =	ssyncadd.s32 $0xFFFFFC00  }
0x47: {  	[hbm4b:s13+s3] =	stream.linear.scatter [tilespmem:s14], [sflag:$0x2], $0x400, $0x38;
	[tilespmem:$0x2100] =	vst v63  }
0x48: {  	_ =	swait.ge [sflag:s4], $0x400  }
0x49: {  	[sflag:s4] =	ssyncset.done $0x0  }
0x4a: {  	[sflag:s4] =	ssyncadd.s32 $0xFFFFFC00  }
0x4b: {  	[hbm4b:s15+s3] =	stream.linear.scatter [tilespmem:s16], [sflag:$0x2], $0x400, $0x38;
	[tilespmem:$0x2100] =	vst v63  }
0x4c: {  	_ =	swait.ge [sflag:s4], $0x400  }
0x4d: {  	[sflag:s4] =	ssyncset.done $0x0  }
0x4e: {  	[sflag:s4] =	ssyncadd.s32 $0xFFFFFC00  }
0x4f: {  	[hbm4b:s17+s3] =	stream.linear.scatter [tilespmem:s9], [sflag:$0x2], $0x400, $0x38;
	[tilespmem:$0x2100] =	vst v63  }
0x50: {  	_ =	swait.ge [sflag:s4], $0x400  }
0x51: {  	[sflag:s4] =	ssyncset.done $0x0  }
0x52: {  	[sflag:s4] =	ssyncadd.s32 $0xFFFFFC00  }
0x53: {  	[hbm4b:s18+s3] =	stream.linear.scatter [tilespmem:s19], [sflag:$0x2], $0x400, $0x38;
	[tilespmem:$0x2100] =	vst v63  }
0x54: {  	_ =	swait.ge [sflag:s4], $0x400  }
0x55: {  	[sflag:s4] =	ssyncset.done $0x0  }
0x56: {  	[sflag:s4] =	ssyncadd.s32 $0xFFFFFC00  }
0x57: {  	[hbm4b:s20+s3] =	stream.linear.scatter [tilespmem:s21], [sflag:$0x2], $0x400, $0x38;
	[tilespmem:$0x2100] =	vst v63  }
0x58: {  	_ =	swait.ge [sflag:s4], $0x400  }
.Ltmp1:
0x59: {  	[sflag:s4] =	ssyncset.done $0x0;
	(pc) =	sbr.rel @p0 .LBB2_1-.Ltmp1, $4  }
0x5a: {  	[sflag:s4] =	ssyncadd.s32 $0xFFFFFC00  }
0x5b: {  	[hbm4b:s22+s3] =	stream.linear.scatter [tilespmem:s23], [sflag:$0x2], $0x400, $0x38;
	[tilespmem:$0x2100] =	vst v63  }
0x5c: {  	_ =	swait.ge [sflag:s4], $0x400  }
0x5d: {  	[sflag:s4] =	ssyncset.done $0x0  }
.LBB2_2:
0x5e: {  	[sflag:s4] =	ssyncadd.s32 $0xFFFFFC00  }
0x5f: {  	_ =	sfence.sel $0x180000  }
0x60: {  	[bflag:$0x0] =	sbarrier.arrive $0xFFFF  }
0x61: {  	p0 =	sne.s32 s0, $0x0;
	_ =	strace $0x90000047  }
0x62: {  	s0 =	sadd.s32 @!p0 $0x100000, s1;
	[bflag:$0x2] =	sbarrier.arrive $0xFFFF  }
0x63: {  	[sflag:s0] =	ssyncadd.tile.s32 @!p0 $0x1;
	_ =	shalt  }
.Lfunc_end2:
_tile_overlayer_lowered:
.L_overlay_start_2:
0x64: {  	(tag) =	ssettag $0x2  }
0x65: {  	s0 =	rddreg [dreg:$0x0];
	s2 =	stileid.u32  }
0x66: {  	s1 =	rddreg [dreg:$0x1];
	p0 =	sne.s32 s2, $0x0  }
0x67: {  	s3 =	rddreg [dreg:$0x2];
	[bflag:$0x3] =	sbarrier.arrive $0xFFFF;
	s2 =	simm.s32 @!p0 $0x1C02  }
0x68: {  	[timem:s3], [sflag:s2] =	dma.local @!p0 [hbm:s0], s1  }
0x69: {  	s0 =	simm.s32 @!p0 $0x2  }
0x6a: {  	_ =	swait.ge @!p0 [sflag:s0], s1  }
0x6b: {  	s1 =	ssub.s32 @!p0 $0x0, s1;
	[sflag:s0] =	ssyncset.done @!p0 $0x0  }
0x6c: {  	[sflag:s0] =	ssyncadd.s32 @!p0 s1  }
0x6d: {  	[bflag:$0x3] =	sbarrier.arrive $0xFFFF  }
0x6e: {  	_ =	shalt  }

</sc_bundles>
